<compile_context>
chip_gen: v7x
topology: tpu7x:2x2x1
jax: 0.10.2.dev20260603
libtpu: 0.0.44.dev20260713+nightly
codegen_flags: <defaults>
</compile_context>

<pallas_src>
import functools

import jax
import jax.numpy as jnp
from jax import lax
from jax.experimental import pallas as pl
from jax.experimental.pallas import tpu as pltpu
from jax.experimental.pallas import tpu_sc as plsc

NC = 2
NS = 16
LANES = 16
NW = NC * NS
CH = 96
N_PAD = 10240
D = 128
BLK = 512


def _mesh():
    return plsc.VectorSubcoreMesh(
        core_axis_name="c", subcore_axis_name="s", num_cores=NC, num_subcores=NS
    )


def _make_deg_kernel(epw):
    nvec = epw // LANES
    stripe = N_PAD // NS
    nred = stripe // LANES

    @functools.partial(
        pl.kernel,
        out_type=jax.ShapeDtypeStruct((NC, N_PAD), jnp.float32),
        mesh=_mesh(),
        compiler_params=pltpu.CompilerParams(needs_layout_passes=False),
        scratch_types=[
            pltpu.VMEM((epw,), jnp.int32),
            pltpu.VMEM((N_PAD,), jnp.float32),
            pltpu.VMEM((NS, stripe), jnp.float32),
            pltpu.VMEM((stripe,), jnp.float32),
            pltpu.VMEM_SHARED((NS, N_PAD), jnp.float32),
        ],
    )
    def deg_kernel(dst_hbm, out_hbm, idx_v, hist_v, red_v, res_v, shared):
        ci = lax.axis_index("c")
        si = lax.axis_index("s")
        w = ci * NS + si
        zeros = jnp.zeros((LANES,), jnp.float32)

        def zero_body(k, carry):
            hist_v[pl.ds(k * LANES, LANES)] = zeros
            return carry

        lax.fori_loop(0, N_PAD // LANES, zero_body, 0)
        pltpu.sync_copy(dst_hbm.at[w], idx_v)
        ones = jnp.ones((LANES,), jnp.float32)

        def hist_body(i, carry):
            v = idx_v[pl.ds(i * LANES, LANES)]
            plsc.addupdate_scatter(hist_v, [v], ones)
            return carry

        lax.fori_loop(0, nvec, hist_body, 0)
        pltpu.sync_copy(hist_v, shared.at[si])
        plsc.subcore_barrier()
        pltpu.sync_copy(shared.at[:, pl.ds(si * stripe, stripe)], red_v)

        def red_body(j, carry):
            acc = red_v[0, pl.ds(j * LANES, LANES)]
            for r in range(1, NS):
                acc = acc + red_v[r, pl.ds(j * LANES, LANES)]
            res_v[pl.ds(j * LANES, LANES)] = acc
            return carry

        lax.fori_loop(0, nred, red_body, 0)
        pltpu.sync_copy(res_v, out_hbm.at[ci, pl.ds(si * stripe, stripe)])

    return deg_kernel


NB = 2


def _make_agg_kernel(chunks):
    stripe = N_PAD // NS
    epw = chunks * CH

    @functools.partial(
        pl.kernel,
        out_type=jax.ShapeDtypeStruct((NC, N_PAD, D), jnp.float32),
        mesh=_mesh(),
        compiler_params=pltpu.CompilerParams(needs_layout_passes=False),
        scratch_types=[
            pltpu.VMEM((epw,), jnp.int32),
            pltpu.VMEM((chunks, CH), jnp.int32),
            pltpu.VMEM((2, CH, D), jnp.float32),
            pltpu.VMEM_SHARED((N_PAD, D), jnp.float32),
        ]
        + [pltpu.SemaphoreType.DMA] * 4,
    )
    def agg_kernel(y_hbm, src_hbm, dst_hbm, zero_hbm, out_hbm,
                   src_v, dst_v, buf_v, acc_sh, gsem0, gsem1, ssem0, ssem1):
        gsems = (gsem0, gsem1)
        ssems = (ssem0, ssem1)
        ci = lax.axis_index("c")
        si = lax.axis_index("s")
        w = ci * NS + si
        pltpu.sync_copy(zero_hbm.at[pl.ds(si * stripe, stripe)],
                        acc_sh.at[pl.ds(si * stripe, stripe)])
        pltpu.sync_copy(src_hbm.at[w], src_v)
        pltpu.sync_copy(dst_hbm.at[w], dst_v)
        plsc.subcore_barrier()

        def gather(c, b):
            pltpu.async_copy(y_hbm.at[src_v.at[pl.ds(c * CH, CH)]],
                             buf_v.at[b], gsems[b])

        def gwait(b):
            pltpu.make_async_copy(y_hbm.at[src_v.at[pl.ds(0, CH)]],
                                  buf_v.at[b], gsems[b]).wait()

        def scat(c, b):
            pltpu.async_copy(buf_v.at[b], acc_sh.at[dst_v.at[c]], ssems[b],
                             add=True)

        def swait(b):
            pltpu.make_async_copy(buf_v.at[b], acc_sh.at[dst_v.at[0]],
                                  ssems[b]).wait()

        gather(0, 0)
        gwait(0)
        scat(0, 0)
        gather(1, 1)
        gwait(1)
        scat(1, 1)
        swait(0)
        gather(2, 0)

        def body(t, carry):
            c0 = 2 * t
            gwait(0)
            scat(c0, 0)
            swait(1)
            gather(c0 + 1, 1)
            gwait(1)
            scat(c0 + 1, 1)
            swait(0)
            gather(jnp.minimum(c0 + 2, chunks - 1), 0)
            return carry

        lax.fori_loop(1, chunks // 2, body, 0)
        gwait(0)
        swait(1)
        plsc.subcore_barrier()
        pltpu.sync_copy(acc_sh.at[pl.ds(si * stripe, stripe)],
                        out_hbm.at[ci, pl.ds(si * stripe, stripe)])

    return agg_kernel


def _tc_scale_matmul(xp, W, dis2):

    def body(x_ref, w_ref, d_ref, y_ref):
        y_ref[...] = d_ref[...] * jnp.dot(
            x_ref[...], w_ref[...], preferred_element_type=jnp.float32)

    return pl.pallas_call(
        body,
        grid=(N_PAD // BLK,),
        in_specs=[
            pl.BlockSpec((BLK, D), lambda i: (i, 0)),
            pl.BlockSpec((D, D), lambda i: (0, 0)),
            pl.BlockSpec((BLK, 1), lambda i: (i, 0)),
        ],
        out_specs=pl.BlockSpec((BLK, D), lambda i: (i, 0)),
        out_shape=jax.ShapeDtypeStruct((N_PAD, D), jnp.float32),
    )(xp, W, dis2)


def _tc_mid(p, y1, dis2, b1, W2, nvalid):

    def body(p_ref, y1_ref, d_ref, b_ref, w_ref, o_ref):
        i = pl.program_id(0)
        s = p_ref[0] + p_ref[1] + y1_ref[...]
        h = jnp.maximum(d_ref[...] * s + b_ref[...], 0.0)
        rows = i * BLK + lax.broadcasted_iota(jnp.int32, (BLK, 1), 0)
        h = jnp.where(rows < nvalid, h, 0.0)
        o_ref[...] = d_ref[...] * jnp.dot(
            h, w_ref[...], preferred_element_type=jnp.float32)

    return pl.pallas_call(
        body,
        grid=(N_PAD // BLK,),
        in_specs=[
            pl.BlockSpec((NC, BLK, D), lambda i: (0, i, 0)),
            pl.BlockSpec((BLK, D), lambda i: (i, 0)),
            pl.BlockSpec((BLK, 1), lambda i: (i, 0)),
            pl.BlockSpec((1, D), lambda i: (0, 0)),
            pl.BlockSpec((D, D), lambda i: (0, 0)),
        ],
        out_specs=pl.BlockSpec((BLK, D), lambda i: (i, 0)),
        out_shape=jax.ShapeDtypeStruct((N_PAD, D), jnp.float32),
    )(p, y1, dis2, b1, W2)


def _tc_final(q, y2, dis2, b2):
    def body(q_ref, y2_ref, d_ref, b_ref, o_ref):
        o_ref[...] = d_ref[...] * (q_ref[0] + q_ref[1] + y2_ref[...]) + b_ref[...]

    return pl.pallas_call(
        body,
        grid=(N_PAD // BLK,),
        in_specs=[
            pl.BlockSpec((NC, BLK, D), lambda i: (0, i, 0)),
            pl.BlockSpec((BLK, D), lambda i: (i, 0)),
            pl.BlockSpec((BLK, 1), lambda i: (i, 0)),
            pl.BlockSpec((1, D), lambda i: (0, 0)),
        ],
        out_specs=pl.BlockSpec((BLK, D), lambda i: (i, 0)),
        out_shape=jax.ShapeDtypeStruct((N_PAD, D), jnp.float32),
    )(q, y2, dis2, b2)


def kernel(x, edge_index, W1, b1, W2, b2):
    N, _ = x.shape
    E = edge_index.shape[1]
    src = edge_index[0].astype(jnp.int32)
    dst = edge_index[1].astype(jnp.int32)

    epw_raw = -(-E // NW)
    chunks = -(-epw_raw // CH)
    chunks += chunks % 2
    epw = chunks * CH
    pad = epw * NW - E
    dum = N + (jnp.arange(pad, dtype=jnp.int32) % (N_PAD - N))
    srcp = jnp.concatenate([src, dum]).reshape(NW, chunks, CH)
    dstp = jnp.concatenate([dst, dum]).reshape(NW, chunks, CH)
    xp = jnp.pad(x, ((0, N_PAD - N), (0, 0)))
    zeros = jnp.zeros((N_PAD, D), jnp.float32)

    degp = _make_deg_kernel(epw)(dstp.reshape(NW, epw))
    deg = degp[0] + degp[1] + 1.0
    dis2 = lax.rsqrt(deg)[:, None]

    agg = _make_agg_kernel(chunks)
    y1 = _tc_scale_matmul(xp, W1, dis2)
    src1d = srcp.reshape(NW, epw)
    p = agg(y1, src1d, dstp, zeros)
    y2 = _tc_mid(p, y1, dis2, b1.reshape(1, D), W2, N)
    q = agg(y2, src1d, dstp, zeros)
    out = _tc_final(q, y2, dis2, b2.reshape(1, D))
    return out[:N]

# --- scband reference (transcript-rebuilt; emitter-appended) ---
"""Pipeline reference for scband-gcn-4758823764089 (READ-ONLY COPY).

The authoritative reference and input builder live on the scoring server;
editing this copy changes nothing except your own understanding.
"""

import jax, jax.numpy as jnp
import numpy as np

N_NODES = 10000
N_EDGES = 320000
D_IN = 128
D_HID = 128
D_OUT = 128


def gcn_conv(x, edge_index, W, b):
    # Faithful to torch_geometric GCNConv (default: add_self_loops=True,
    # normalize=True, symmetric normalization, bias=True).
    N = x.shape[0]
    src = edge_index[0]
    dst = edge_index[1]
    loop = jnp.arange(N, dtype=edge_index.dtype)
    src = jnp.concatenate([src, loop])
    dst = jnp.concatenate([dst, loop])
    # linear transform first (PyG applies lin before propagate)
    xw = x @ W
    # symmetric degree normalization with edge_weight = 1
    ones = jnp.ones(src.shape[0], dtype=x.dtype)
    deg = jnp.zeros(N, dtype=x.dtype).at[dst].add(ones)
    deg_inv_sqrt = jnp.where(deg > 0, deg ** -0.5, 0.0)
    norm = deg_inv_sqrt[src] * deg_inv_sqrt[dst]
    # message = norm * x_j ; aggregate = scatter-add to dst
    msg = norm[:, None] * xw[src]
    out = jnp.zeros((N, xw.shape[1]), dtype=x.dtype).at[dst].add(msg)
    return out + b


def setup_inputs(seed: int = 0) -> dict:
    key = jax.random.key(seed)
    k1, k2, k3, k4, k5, k6 = jax.random.split(key, 6)
    x = jax.random.normal(k1, (N_NODES, D_IN), dtype=jnp.float32)
    edge_index = jax.random.randint(k2, (2, N_EDGES), 0, N_NODES, dtype=jnp.int64)
    # glorot-style init for GCNConv weights; stored as [in, out]
    W1 = jax.random.normal(k3, (D_IN, D_HID), dtype=jnp.float32) * (1.0 / np.sqrt(D_IN))
    b1 = jnp.zeros((D_HID,), dtype=jnp.float32)
    W2 = jax.random.normal(k4, (D_HID, D_OUT), dtype=jnp.float32) * (1.0 / np.sqrt(D_HID))
    b2 = jnp.zeros((D_OUT,), dtype=jnp.float32)
    return {"x": x, "edge_index": edge_index, "W1": W1, "b1": b1, "W2": W2, "b2": b2}


def reference(x, edge_index, W1, b1, W2, b2):
    h = gcn_conv(x, edge_index, W1, b1)
    h = jax.nn.relu(h)
    # dropout is identity in eval mode
    out = gcn_conv(h, edge_index, W2, b2)
    return out

if __name__ == "__main__":
    import jax
    _d = setup_inputs()
    print(jax.jit(kernel)(*tuple(_d.values())))

</pallas_src>

<mosaic_0001>
#map = affine_map<(d0, d1) -> (0, 0)>
#map1 = affine_map<(d0, d1) -> (0, 0, 0)>
module attributes {stable_mosaic.version = 14 : i64} {
  func.func @agg_kernel(%arg0: i32, %arg1: i32, %arg2: memref<10240x128xf32, #tpu.memory_space<hbm>>, %arg3: memref<32x10176xi32, #tpu.memory_space<hbm>>, %arg4: memref<32x106x96xi32, #tpu.memory_space<hbm>>, %arg5: memref<10240x128xf32, #tpu.memory_space<hbm>>, %arg6: memref<2x10240x128xf32, #tpu.memory_space<hbm>>, %arg7: memref<10176xi32, #tpu.memory_space<vmem>>, %arg8: memref<106x96xi32, #tpu.memory_space<vmem>>, %arg9: memref<2x96x128xf32, #tpu.memory_space<vmem>>, %arg10: memref<10240x128xf32, #tpu.memory_space<vmem_shared>>, %arg11: memref<!tpu.dma_semaphore, #tpu.memory_space<semaphore_mem>>, %arg12: memref<!tpu.dma_semaphore, #tpu.memory_space<semaphore_mem>>, %arg13: memref<!tpu.dma_semaphore, #tpu.memory_space<semaphore_mem>>, %arg14: memref<!tpu.dma_semaphore, #tpu.memory_space<semaphore_mem>>) attributes {dimension_semantics = [#tpu.dimension_semantics<core_parallel>, #tpu.dimension_semantics<subcore_parallel>], iteration_bounds = array<i64: 2, 16>, scalar_prefetch = 0 : i64, scratch_operands = 8 : i64, tpu.core_type = #tpu.core_type<sc_vector_subcore>, window_params = [{transform_indices = #map}, {transform_indices = #map}, {transform_indices = #map1}, {transform_indices = #map}, {transform_indices = #map1}]} {
    %mul3A = arith.constant 16 : i32
    %mul3A_0 = arith.muli %arg0, %mul3A : i32
    %add3A = arith.addi %mul3A_0, %arg1 : i32
    %mul3A_1 = arith.constant 640 : i32
    %mul3A_2 = arith.muli %arg1, %mul3A_1 : i32
    %mul3A_3 = arith.constant 640 : i32
    %mul3A_4 = arith.muli %arg1, %mul3A_3 : i32
    "tpu.region"() ({
      %run_scoped3A = tpu.sem_alloc : memref<!tpu.dma_semaphore, #tpu.memory_space<semaphore_mem>>
      %dma_start3A_121 = arith.constant 0 : i32
      %dma_start3A_122 = tpu.memref_slice %arg10[%mul3A_4, %dma_start3A_121] : memref<10240x128xf32, #tpu.memory_space<vmem_shared>> -> memref<640x128xf32, #tpu.memory_space<vmem_shared>>
      %dma_start3A_123 = arith.constant 0 : i32
      %dma_start3A_124 = tpu.memref_slice %arg5[%mul3A_2, %dma_start3A_123] : memref<10240x128xf32, #tpu.memory_space<hbm>> -> memref<640x128xf32, #tpu.memory_space<hbm>>
      tpu.enqueue_dma source(%dma_start3A_124 : memref<640x128xf32, #tpu.memory_space<hbm>>) target(%dma_start3A_122 : memref<640x128xf32, #tpu.memory_space<vmem_shared>>) target_semaphore(%run_scoped3A : memref<!tpu.dma_semaphore, #tpu.memory_space<semaphore_mem>>)
      %dma_wait3A_125 = arith.constant 0 : i32
      %dma_wait3A_126 = tpu.memref_slice %arg10[%mul3A_4, %dma_wait3A_125] : memref<10240x128xf32, #tpu.memory_space<vmem_shared>> -> memref<640x128xf32, #tpu.memory_space<vmem_shared>>
      %dma_wait3A_127 = arith.constant 0 : i32
      %dma_wait3A_128 = tpu.memref_slice %arg5[%mul3A_2, %dma_wait3A_127] : memref<10240x128xf32, #tpu.memory_space<hbm>> -> memref<640x128xf32, #tpu.memory_space<hbm>>
      tpu.wait_dma2 semaphore(%run_scoped3A : memref<!tpu.dma_semaphore, #tpu.memory_space<semaphore_mem>>) src(%dma_wait3A_128 : memref<640x128xf32, #tpu.memory_space<hbm>>) dst(%dma_wait3A_126 : memref<640x128xf32, #tpu.memory_space<vmem_shared>>)
      tpu.yield
    }) : () -> ()
    "tpu.region"() ({
      %run_scoped3A = tpu.sem_alloc : memref<!tpu.dma_semaphore, #tpu.memory_space<semaphore_mem>>
      %dma_start3A_121 = arith.constant 0 : i32
      %dma_start3A_122 = tpu.memref_slice %arg3[%add3A, %dma_start3A_121] : memref<32x10176xi32, #tpu.memory_space<hbm>> -> memref<1x10176xi32, #tpu.memory_space<hbm>>
      %dma_start3A_123 = tpu.memref_squeeze %dma_start3A_122 : memref<1x10176xi32, #tpu.memory_space<hbm>> -> memref<10176xi32, #tpu.memory_space<hbm>>
      %dma_start3A_124 = arith.constant 0 : i32
      %dma_start3A_125 = tpu.memref_slice %arg3[%add3A, %dma_start3A_124] : memref<32x10176xi32, #tpu.memory_space<hbm>> -> memref<1x10176xi32, #tpu.memory_space<hbm>>
      %dma_start3A_126 = tpu.memref_squeeze %dma_start3A_125 : memref<1x10176xi32, #tpu.memory_space<hbm>> -> memref<10176xi32, #tpu.memory_space<hbm>>
      tpu.enqueue_dma source(%dma_start3A_126 : memref<10176xi32, #tpu.memory_space<hbm>>) target(%arg7 : memref<10176xi32, #tpu.memory_space<vmem>>) target_semaphore(%run_scoped3A : memref<!tpu.dma_semaphore, #tpu.memory_space<semaphore_mem>>)
      %dma_wait3A_127 = arith.constant 0 : i32
      %dma_wait3A_128 = tpu.memref_slice %arg3[%add3A, %dma_wait3A_127] : memref<32x10176xi32, #tpu.memory_space<hbm>> -> memref<1x10176xi32, #tpu.memory_space<hbm>>
      %dma_wait3A_129 = tpu.memref_squeeze %dma_wait3A_128 : memref<1x10176xi32, #tpu.memory_space<hbm>> -> memref<10176xi32, #tpu.memory_space<hbm>>
      %dma_wait3A_130 = arith.constant 0 : i32
      %dma_wait3A_131 = tpu.memref_slice %arg3[%add3A, %dma_wait3A_130] : memref<32x10176xi32, #tpu.memory_space<hbm>> -> memref<1x10176xi32, #tpu.memory_space<hbm>>
      %dma_wait3A_132 = tpu.memref_squeeze %dma_wait3A_131 : memref<1x10176xi32, #tpu.memory_space<hbm>> -> memref<10176xi32, #tpu.memory_space<hbm>>
      tpu.wait_dma2 semaphore(%run_scoped3A : memref<!tpu.dma_semaphore, #tpu.memory_space<semaphore_mem>>) src(%dma_wait3A_132 : memref<10176xi32, #tpu.memory_space<hbm>>) dst(%arg7 : memref<10176xi32, #tpu.memory_space<vmem>>)
      tpu.yield
    }) : () -> ()
    "tpu.region"() ({
      %run_scoped3A = tpu.sem_alloc : memref<!tpu.dma_semaphore, #tpu.memory_space<semaphore_mem>>
      %dma_start3A_121 = arith.constant 0 : i32
      %dma_start3A_122 = arith.constant 0 : i32
      %dma_start3A_123 = tpu.memref_slice %arg4[%add3A, %dma_start3A_121, %dma_start3A_122] : memref<32x106x96xi32, #tpu.memory_space<hbm>> -> memref<1x106x96xi32, #tpu.memory_space<hbm>>
      %dma_start3A_124 = tpu.memref_squeeze %dma_start3A_123 : memref<1x106x96xi32, #tpu.memory_space<hbm>> -> memref<106x96xi32, #tpu.memory_space<hbm>>
      %dma_start3A_125 = arith.constant 0 : i32
      %dma_start3A_126 = arith.constant 0 : i32
      %dma_start3A_127 = tpu.memref_slice %arg4[%add3A, %dma_start3A_125, %dma_start3A_126] : memref<32x106x96xi32, #tpu.memory_space<hbm>> -> memref<1x106x96xi32, #tpu.memory_space<hbm>>
      %dma_start3A_128 = tpu.memref_squeeze %dma_start3A_127 : memref<1x106x96xi32, #tpu.memory_space<hbm>> -> memref<106x96xi32, #tpu.memory_space<hbm>>
      tpu.enqueue_dma source(%dma_start3A_128 : memref<106x96xi32, #tpu.memory_space<hbm>>) target(%arg8 : memref<106x96xi32, #tpu.memory_space<vmem>>) target_semaphore(%run_scoped3A : memref<!tpu.dma_semaphore, #tpu.memory_space<semaphore_mem>>)
      %dma_wait3A_129 = arith.constant 0 : i32
      %dma_wait3A_130 = arith.constant 0 : i32
      %dma_wait3A_131 = tpu.memref_slice %arg4[%add3A, %dma_wait3A_129, %dma_wait3A_130] : memref<32x106x96xi32, #tpu.memory_space<hbm>> -> memref<1x106x96xi32, #tpu.memory_space<hbm>>
      %dma_wait3A_132 = tpu.memref_squeeze %dma_wait3A_131 : memref<1x106x96xi32, #tpu.memory_space<hbm>> -> memref<106x96xi32, #tpu.memory_space<hbm>>
      %dma_wait3A_133 = arith.constant 0 : i32
      %dma_wait3A_134 = arith.constant 0 : i32
      %dma_wait3A_135 = tpu.memref_slice %arg4[%add3A, %dma_wait3A_133, %dma_wait3A_134] : memref<32x106x96xi32, #tpu.memory_space<hbm>> -> memref<1x106x96xi32, #tpu.memory_space<hbm>>
      %dma_wait3A_136 = tpu.memref_squeeze %dma_wait3A_135 : memref<1x106x96xi32, #tpu.memory_space<hbm>> -> memref<106x96xi32, #tpu.memory_space<hbm>>
      tpu.wait_dma2 semaphore(%run_scoped3A : memref<!tpu.dma_semaphore, #tpu.memory_space<semaphore_mem>>) src(%dma_wait3A_136 : memref<106x96xi32, #tpu.memory_space<hbm>>) dst(%arg8 : memref<106x96xi32, #tpu.memory_space<vmem>>)
      tpu.yield
    }) : () -> ()
    %barrier3A = arith.constant 0 : index
    tpu.barrier barrier_id(%barrier3A)
    %dma_start3A = arith.constant 0 : i32
    %dma_start3A_5 = arith.constant 0 : i32
    %dma_start3A_6 = arith.constant 0 : i32
    %dma_start3A_7 = tpu.memref_slice %arg9[%dma_start3A, %dma_start3A_5, %dma_start3A_6] : memref<2x96x128xf32, #tpu.memory_space<vmem>> -> memref<1x96x128xf32, #tpu.memory_space<vmem>>
    %dma_start3A_8 = tpu.memref_squeeze %dma_start3A_7 : memref<1x96x128xf32, #tpu.memory_space<vmem>> -> memref<96x128xf32, #tpu.memory_space<vmem>>
    %dma_start3A_9 = arith.constant 0 : i32
    %dma_start3A_10 = tpu.memref_slice %arg7[%dma_start3A_9] : memref<10176xi32, #tpu.memory_space<vmem>> -> memref<96xi32, #tpu.memory_space<vmem>>
    %dma_start3A_11 = arith.constant 0 : i32
    %dma_start3A_12 = arith.constant 0 : i32
    %dma_start3A_13 = tpu.memref_slice %arg2[%dma_start3A_11, %dma_start3A_12] : memref<10240x128xf32, #tpu.memory_space<hbm>> -> memref<10240x128xf32, #tpu.memory_space<hbm>>
    tpu.enqueue_indirect_dma source(%dma_start3A_13 : memref<10240x128xf32, #tpu.memory_space<hbm>>) target(%dma_start3A_8 : memref<96x128xf32, #tpu.memory_space<vmem>>) offsets(%dma_start3A_10 : memref<96xi32, #tpu.memory_space<vmem>>) semaphore(%arg11 : memref<!tpu.dma_semaphore, #tpu.memory_space<semaphore_mem>>)
    %dma_wait3A = arith.constant 0 : i32
    %dma_wait3A_14 = arith.constant 0 : i32
    %dma_wait3A_15 = arith.constant 0 : i32
    %dma_wait3A_16 = tpu.memref_slice %arg9[%dma_wait3A, %dma_wait3A_14, %dma_wait3A_15] : memref<2x96x128xf32, #tpu.memory_space<vmem>> -> memref<1x96x128xf32, #tpu.memory_space<vmem>>
    %dma_wait3A_17 = tpu.memref_squeeze %dma_wait3A_16 : memref<1x96x128xf32, #tpu.memory_space<vmem>> -> memref<96x128xf32, #tpu.memory_space<vmem>>
    %dma_wait3A_18 = arith.constant 0 : i32
    %dma_wait3A_19 = tpu.memref_slice %arg7[%dma_wait3A_18] : memref<10176xi32, #tpu.memory_space<vmem>> -> memref<96xi32, #tpu.memory_space<vmem>>
    %dma_wait3A_20 = arith.constant 0 : i32
    %dma_wait3A_21 = arith.constant 0 : i32
    %dma_wait3A_22 = tpu.memref_slice %arg2[%dma_wait3A_20, %dma_wait3A_21] : memref<10240x128xf32, #tpu.memory_space<hbm>> -> memref<10240x128xf32, #tpu.memory_space<hbm>>
    tpu.wait_indirect_dma semaphore(%arg11 : memref<!tpu.dma_semaphore, #tpu.memory_space<semaphore_mem>>) src(%dma_wait3A_22 : memref<10240x128xf32, #tpu.memory_space<hbm>>) dst(%dma_wait3A_17 : memref<96x128xf32, #tpu.memory_space<vmem>>)
    %dma_start3A_23 = arith.constant 0 : i32
    %dma_start3A_24 = arith.constant 0 : i32
    %dma_start3A_25 = arith.constant 0 : i32
    %dma_start3A_26 = arith.constant 0 : i32
    %dma_start3A_27 = tpu.memref_slice %arg9[%dma_start3A_23, %dma_start3A_25, %dma_start3A_26] : memref<2x96x128xf32, #tpu.memory_space<vmem>> -> memref<1x96x128xf32, #tpu.memory_space<vmem>>
    %dma_start3A_28 = tpu.memref_squeeze %dma_start3A_27 : memref<1x96x128xf32, #tpu.memory_space<vmem>> -> memref<96x128xf32, #tpu.memory_space<vmem>>
    %dma_start3A_29 = arith.constant 0 : i32
    %dma_start3A_30 = tpu.memref_slice %arg8[%dma_start3A_24, %dma_start3A_29] : memref<106x96xi32, #tpu.memory_space<vmem>> -> memref<1x96xi32, #tpu.memory_space<vmem>>
    %dma_start3A_31 = tpu.memref_squeeze %dma_start3A_30 : memref<1x96xi32, #tpu.memory_space<vmem>> -> memref<96xi32, #tpu.memory_space<vmem>>
    %dma_start3A_32 = arith.constant 0 : i32
    %dma_start3A_33 = arith.constant 0 : i32
    %dma_start3A_34 = tpu.memref_slice %arg10[%dma_start3A_32, %dma_start3A_33] : memref<10240x128xf32, #tpu.memory_space<vmem_shared>> -> memref<10240x128xf32, #tpu.memory_space<vmem_shared>>
    tpu.enqueue_indirect_dma source(%dma_start3A_28 : memref<96x128xf32, #tpu.memory_space<vmem>>) target(%dma_start3A_34 : memref<10240x128xf32, #tpu.memory_space<vmem_shared>>) offsets(%dma_start3A_31 : memref<96xi32, #tpu.memory_space<vmem>>) semaphore(%arg13 : memref<!tpu.dma_semaphore, #tpu.memory_space<semaphore_mem>>) {add = true}
    %dma_start3A_35 = arith.constant 1 : i32
    %dma_start3A_36 = arith.constant 0 : i32
    %dma_start3A_37 = arith.constant 0 : i32
    %dma_start3A_38 = tpu.memref_slice %arg9[%dma_start3A_35, %dma_start3A_36, %dma_start3A_37] : memref<2x96x128xf32, #tpu.memory_space<vmem>> -> memref<1x96x128xf32, #tpu.memory_space<vmem>>
    %dma_start3A_39 = tpu.memref_squeeze %dma_start3A_38 : memref<1x96x128xf32, #tpu.memory_space<vmem>> -> memref<96x128xf32, #tpu.memory_space<vmem>>
    %dma_start3A_40 = arith.constant 96 : i32
    %dma_start3A_41 = tpu.memref_slice %arg7[%dma_start3A_40] : memref<10176xi32, #tpu.memory_space<vmem>> -> memref<96xi32, #tpu.memory_space<vmem>>
    %dma_start3A_42 = arith.constant 0 : i32
    %dma_start3A_43 = arith.constant 0 : i32
    %dma_start3A_44 = tpu.memref_slice %arg2[%dma_start3A_42, %dma_start3A_43] : memref<10240x128xf32, #tpu.memory_space<hbm>> -> memref<10240x128xf32, #tpu.memory_space<hbm>>
    tpu.enqueue_indirect_dma source(%dma_start3A_44 : memref<10240x128xf32, #tpu.memory_space<hbm>>) target(%dma_start3A_39 : memref<96x128xf32, #tpu.memory_space<vmem>>) offsets(%dma_start3A_41 : memref<96xi32, #tpu.memory_space<vmem>>) semaphore(%arg12 : memref<!tpu.dma_semaphore, #tpu.memory_space<semaphore_mem>>)
    %dma_wait3A_45 = arith.constant 1 : i32
    %dma_wait3A_46 = arith.constant 0 : i32
    %dma_wait3A_47 = arith.constant 0 : i32
    %dma_wait3A_48 = tpu.memref_slice %arg9[%dma_wait3A_45, %dma_wait3A_46, %dma_wait3A_47] : memref<2x96x128xf32, #tpu.memory_space<vmem>> -> memref<1x96x128xf32, #tpu.memory_space<vmem>>
    %dma_wait3A_49 = tpu.memref_squeeze %dma_wait3A_48 : memref<1x96x128xf32, #tpu.memory_space<vmem>> -> memref<96x128xf32, #tpu.memory_space<vmem>>
    %dma_wait3A_50 = arith.constant 0 : i32
    %dma_wait3A_51 = tpu.memref_slice %arg7[%dma_wait3A_50] : memref<10176xi32, #tpu.memory_space<vmem>> -> memref<96xi32, #tpu.memory_space<vmem>>
    %dma_wait3A_52 = arith.constant 0 : i32
    %dma_wait3A_53 = arith.constant 0 : i32
    %dma_wait3A_54 = tpu.memref_slice %arg2[%dma_wait3A_52, %dma_wait3A_53] : memref<10240x128xf32, #tpu.memory_space<hbm>> -> memref<10240x128xf32, #tpu.memory_space<hbm>>
    tpu.wait_indirect_dma semaphore(%arg12 : memref<!tpu.dma_semaphore, #tpu.memory_space<semaphore_mem>>) src(%dma_wait3A_54 : memref<10240x128xf32, #tpu.memory_space<hbm>>) dst(%dma_wait3A_49 : memref<96x128xf32, #tpu.memory_space<vmem>>)
    %dma_start3A_55 = arith.constant 1 : i32
    %dma_start3A_56 = arith.constant 1 : i32
    %dma_start3A_57 = arith.constant 0 : i32
    %dma_start3A_58 = arith.constant 0 : i32
    %dma_start3A_59 = tpu.memref_slice %arg9[%dma_start3A_55, %dma_start3A_57, %dma_start3A_58] : memref<2x96x128xf32, #tpu.memory_space<vmem>> -> memref<1x96x128xf32, #tpu.memory_space<vmem>>
    %dma_start3A_60 = tpu.memref_squeeze %dma_start3A_59 : memref<1x96x128xf32, #tpu.memory_space<vmem>> -> memref<96x128xf32, #tpu.memory_space<vmem>>
    %dma_start3A_61 = arith.constant 0 : i32
    %dma_start3A_62 = tpu.memref_slice %arg8[%dma_start3A_56, %dma_start3A_61] : memref<106x96xi32, #tpu.memory_space<vmem>> -> memref<1x96xi32, #tpu.memory_space<vmem>>
    %dma_start3A_63 = tpu.memref_squeeze %dma_start3A_62 : memref<1x96xi32, #tpu.memory_space<vmem>> -> memref<96xi32, #tpu.memory_space<vmem>>
    %dma_start3A_64 = arith.constant 0 : i32
    %dma_start3A_65 = arith.constant 0 : i32
    %dma_start3A_66 = tpu.memref_slice %arg10[%dma_start3A_64, %dma_start3A_65] : memref<10240x128xf32, #tpu.memory_space<vmem_shared>> -> memref<10240x128xf32, #tpu.memory_space<vmem_shared>>
    tpu.enqueue_indirect_dma source(%dma_start3A_60 : memref<96x128xf32, #tpu.memory_space<vmem>>) target(%dma_start3A_66 : memref<10240x128xf32, #tpu.memory_space<vmem_shared>>) offsets(%dma_start3A_63 : memref<96xi32, #tpu.memory_space<vmem>>) semaphore(%arg14 : memref<!tpu.dma_semaphore, #tpu.memory_space<semaphore_mem>>) {add = true}
    %dma_wait3A_67 = arith.constant 0 : i32
    %dma_wait3A_68 = arith.constant 0 : i32
    %dma_wait3A_69 = arith.constant 0 : i32
    %dma_wait3A_70 = arith.constant 0 : i32
    %dma_wait3A_71 = tpu.memref_slice %arg9[%dma_wait3A_67, %dma_wait3A_69, %dma_wait3A_70] : memref<2x96x128xf32, #tpu.memory_space<vmem>> -> memref<1x96x128xf32, #tpu.memory_space<vmem>>
    %dma_wait3A_72 = tpu.memref_squeeze %dma_wait3A_71 : memref<1x96x128xf32, #tpu.memory_space<vmem>> -> memref<96x128xf32, #tpu.memory_space<vmem>>
    %dma_wait3A_73 = arith.constant 0 : i32
    %dma_wait3A_74 = tpu.memref_slice %arg8[%dma_wait3A_68, %dma_wait3A_73] : memref<106x96xi32, #tpu.memory_space<vmem>> -> memref<1x96xi32, #tpu.memory_space<vmem>>
    %dma_wait3A_75 = tpu.memref_squeeze %dma_wait3A_74 : memref<1x96xi32, #tpu.memory_space<vmem>> -> memref<96xi32, #tpu.memory_space<vmem>>
    %dma_wait3A_76 = arith.constant 0 : i32
    %dma_wait3A_77 = arith.constant 0 : i32
    %dma_wait3A_78 = tpu.memref_slice %arg10[%dma_wait3A_76, %dma_wait3A_77] : memref<10240x128xf32, #tpu.memory_space<vmem_shared>> -> memref<10240x128xf32, #tpu.memory_space<vmem_shared>>
    tpu.wait_indirect_dma semaphore(%arg13 : memref<!tpu.dma_semaphore, #tpu.memory_space<semaphore_mem>>) src(%dma_wait3A_72 : memref<96x128xf32, #tpu.memory_space<vmem>>) dst(%dma_wait3A_78 : memref<10240x128xf32, #tpu.memory_space<vmem_shared>>)
    %dma_start3A_79 = arith.constant 0 : i32
    %dma_start3A_80 = arith.constant 0 : i32
    %dma_start3A_81 = arith.constant 0 : i32
    %dma_start3A_82 = tpu.memref_slice %arg9[%dma_start3A_79, %dma_start3A_80, %dma_start3A_81] : memref<2x96x128xf32, #tpu.memory_space<vmem>> -> memref<1x96x128xf32, #tpu.memory_space<vmem>>
    %dma_start3A_83 = tpu.memref_squeeze %dma_start3A_82 : memref<1x96x128xf32, #tpu.memory_space<vmem>> -> memref<96x128xf32, #tpu.memory_space<vmem>>
    %dma_start3A_84 = arith.constant 192 : i32
    %dma_start3A_85 = tpu.memref_slice %arg7[%dma_start3A_84] : memref<10176xi32, #tpu.memory_space<vmem>> -> memref<96xi32, #tpu.memory_space<vmem>>
    %dma_start3A_86 = arith.constant 0 : i32
    %dma_start3A_87 = arith.constant 0 : i32
    %dma_start3A_88 = tpu.memref_slice %arg2[%dma_start3A_86, %dma_start3A_87] : memref<10240x128xf32, #tpu.memory_space<hbm>> -> memref<10240x128xf32, #tpu.memory_space<hbm>>
    tpu.enqueue_indirect_dma source(%dma_start3A_88 : memref<10240x128xf32, #tpu.memory_space<hbm>>) target(%dma_start3A_83 : memref<96x128xf32, #tpu.memory_space<vmem>>) offsets(%dma_start3A_85 : memref<96xi32, #tpu.memory_space<vmem>>) semaphore(%arg11 : memref<!tpu.dma_semaphore, #tpu.memory_space<semaphore_mem>>)
    %scan3A = arith.constant 0 : i32
    %scan3A_89 = arith.constant 1 : i32
    %scan3A_90 = arith.constant 52 : i32
    %scan3A_91 = arith.addi %scan3A_89, %scan3A_90 : i32
    %scan3A_92 = arith.constant 1 : i32
    scf.for %scan3A_121 = %scan3A_89 to %scan3A_91 step %scan3A_92  : i32 {
      %mul3A_122 = arith.constant 2 : i32
      %mul3A_123 = arith.muli %mul3A_122, %scan3A_121 : i32
      %dma_wait3A_124 = arith.constant 0 : i32
      %dma_wait3A_125 = arith.constant 0 : i32
      %dma_wait3A_126 = arith.constant 0 : i32
      %dma_wait3A_127 = tpu.memref_slice %arg9[%dma_wait3A_124, %dma_wait3A_125, %dma_wait3A_126] : memref<2x96x128xf32, #tpu.memory_space<vmem>> -> memref<1x96x128xf32, #tpu.memory_space<vmem>>
      %dma_wait3A_128 = tpu.memref_squeeze %dma_wait3A_127 : memref<1x96x128xf32, #tpu.memory_space<vmem>> -> memref<96x128xf32, #tpu.memory_space<vmem>>
      %dma_wait3A_129 = arith.constant 0 : i32
      %dma_wait3A_130 = tpu.memref_slice %arg7[%dma_wait3A_129] : memref<10176xi32, #tpu.memory_space<vmem>> -> memref<96xi32, #tpu.memory_space<vmem>>
      %dma_wait3A_131 = arith.constant 0 : i32
      %dma_wait3A_132 = arith.constant 0 : i32
      %dma_wait3A_133 = tpu.memref_slice %arg2[%dma_wait3A_131, %dma_wait3A_132] : memref<10240x128xf32, #tpu.memory_space<hbm>> -> memref<10240x128xf32, #tpu.memory_space<hbm>>
      tpu.wait_indirect_dma semaphore(%arg11 : memref<!tpu.dma_semaphore, #tpu.memory_space<semaphore_mem>>) src(%dma_wait3A_133 : memref<10240x128xf32, #tpu.memory_space<hbm>>) dst(%dma_wait3A_128 : memref<96x128xf32, #tpu.memory_space<vmem>>)
      %dma_start3A_134 = arith.constant 0 : i32
      %dma_start3A_135 = arith.constant 0 : i32
      %dma_start3A_136 = arith.constant 0 : i32
      %dma_start3A_137 = tpu.memref_slice %arg9[%dma_start3A_134, %dma_start3A_135, %dma_start3A_136] : memref<2x96x128xf32, #tpu.memory_space<vmem>> -> memref<1x96x128xf32, #tpu.memory_space<vmem>>
      %dma_start3A_138 = tpu.memref_squeeze %dma_start3A_137 : memref<1x96x128xf32, #tpu.memory_space<vmem>> -> memref<96x128xf32, #tpu.memory_space<vmem>>
      %dma_start3A_139 = arith.constant 0 : i32
      %dma_start3A_140 = tpu.memref_slice %arg8[%mul3A_123, %dma_start3A_139] : memref<106x96xi32, #tpu.memory_space<vmem>> -> memref<1x96xi32, #tpu.memory_space<vmem>>
      %dma_start3A_141 = tpu.memref_squeeze %dma_start3A_140 : memref<1x96xi32, #tpu.memory_space<vmem>> -> memref<96xi32, #tpu.memory_space<vmem>>
      %dma_start3A_142 = arith.constant 0 : i32
      %dma_start3A_143 = arith.constant 0 : i32
      %dma_start3A_144 = tpu.memref_slice %arg10[%dma_start3A_142, %dma_start3A_143] : memref<10240x128xf32, #tpu.memory_space<vmem_shared>> -> memref<10240x128xf32, #tpu.memory_space<vmem_shared>>
      tpu.enqueue_indirect_dma source(%dma_start3A_138 : memref<96x128xf32, #tpu.memory_space<vmem>>) target(%dma_start3A_144 : memref<10240x128xf32, #tpu.memory_space<vmem_shared>>) offsets(%dma_start3A_141 : memref<96xi32, #tpu.memory_space<vmem>>) semaphore(%arg13 : memref<!tpu.dma_semaphore, #tpu.memory_space<semaphore_mem>>) {add = true}
      %dma_wait3A_145 = arith.constant 1 : i32
      %dma_wait3A_146 = arith.constant 0 : i32
      %dma_wait3A_147 = arith.constant 0 : i32
      %dma_wait3A_148 = arith.constant 0 : i32
      %dma_wait3A_149 = tpu.memref_slice %arg9[%dma_wait3A_145, %dma_wait3A_147, %dma_wait3A_148] : memref<2x96x128xf32, #tpu.memory_space<vmem>> -> memref<1x96x128xf32, #tpu.memory_space<vmem>>
      %dma_wait3A_150 = tpu.memref_squeeze %dma_wait3A_149 : memref<1x96x128xf32, #tpu.memory_space<vmem>> -> memref<96x128xf32, #tpu.memory_space<vmem>>
      %dma_wait3A_151 = arith.constant 0 : i32
      %dma_wait3A_152 = tpu.memref_slice %arg8[%dma_wait3A_146, %dma_wait3A_151] : memref<106x96xi32, #tpu.memory_space<vmem>> -> memref<1x96xi32, #tpu.memory_space<vmem>>
      %dma_wait3A_153 = tpu.memref_squeeze %dma_wait3A_152 : memref<1x96xi32, #tpu.memory_space<vmem>> -> memref<96xi32, #tpu.memory_space<vmem>>
      %dma_wait3A_154 = arith.constant 0 : i32
      %dma_wait3A_155 = arith.constant 0 : i32
      %dma_wait3A_156 = tpu.memref_slice %arg10[%dma_wait3A_154, %dma_wait3A_155] : memref<10240x128xf32, #tpu.memory_space<vmem_shared>> -> memref<10240x128xf32, #tpu.memory_space<vmem_shared>>
      tpu.wait_indirect_dma semaphore(%arg14 : memref<!tpu.dma_semaphore, #tpu.memory_space<semaphore_mem>>) src(%dma_wait3A_150 : memref<96x128xf32, #tpu.memory_space<vmem>>) dst(%dma_wait3A_156 : memref<10240x128xf32, #tpu.memory_space<vmem_shared>>)
      %add3A_157 = arith.constant 1 : i32
      %add3A_158 = arith.addi %mul3A_123, %add3A_157 : i32
      %mul3A_159 = arith.constant 96 : i32
      %mul3A_160 = arith.muli %add3A_158, %mul3A_159 : i32
      %dma_start3A_161 = arith.constant 1 : i32
      %dma_start3A_162 = arith.constant 0 : i32
      %dma_start3A_163 = arith.constant 0 : i32
      %dma_start3A_164 = tpu.memref_slice %arg9[%dma_start3A_161, %dma_start3A_162, %dma_start3A_163] : memref<2x96x128xf32, #tpu.memory_space<vmem>> -> memref<1x96x128xf32, #tpu.memory_space<vmem>>
      %dma_start3A_165 = tpu.memref_squeeze %dma_start3A_164 : memref<1x96x128xf32, #tpu.memory_space<vmem>> -> memref<96x128xf32, #tpu.memory_space<vmem>>
      %dma_start3A_166 = tpu.memref_slice %arg7[%mul3A_160] : memref<10176xi32, #tpu.memory_space<vmem>> -> memref<96xi32, #tpu.memory_space<vmem>>
      %dma_start3A_167 = arith.constant 0 : i32
      %dma_start3A_168 = arith.constant 0 : i32
      %dma_start3A_169 = tpu.memref_slice %arg2[%dma_start3A_167, %dma_start3A_168] : memref<10240x128xf32, #tpu.memory_space<hbm>> -> memref<10240x128xf32, #tpu.memory_space<hbm>>
      tpu.enqueue_indirect_dma source(%dma_start3A_169 : memref<10240x128xf32, #tpu.memory_space<hbm>>) target(%dma_start3A_165 : memref<96x128xf32, #tpu.memory_space<vmem>>) offsets(%dma_start3A_166 : memref<96xi32, #tpu.memory_space<vmem>>) semaphore(%arg12 : memref<!tpu.dma_semaphore, #tpu.memory_space<semaphore_mem>>)
      %dma_wait3A_170 = arith.constant 1 : i32
      %dma_wait3A_171 = arith.constant 0 : i32
      %dma_wait3A_172 = arith.constant 0 : i32
      %dma_wait3A_173 = tpu.memref_slice %arg9[%dma_wait3A_170, %dma_wait3A_171, %dma_wait3A_172] : memref<2x96x128xf32, #tpu.memory_space<vmem>> -> memref<1x96x128xf32, #tpu.memory_space<vmem>>
      %dma_wait3A_174 = tpu.memref_squeeze %dma_wait3A_173 : memref<1x96x128xf32, #tpu.memory_space<vmem>> -> memref<96x128xf32, #tpu.memory_space<vmem>>
      %dma_wait3A_175 = arith.constant 0 : i32
      %dma_wait3A_176 = tpu.memref_slice %arg7[%dma_wait3A_175] : memref<10176xi32, #tpu.memory_space<vmem>> -> memref<96xi32, #tpu.memory_space<vmem>>
      %dma_wait3A_177 = arith.constant 0 : i32
      %dma_wait3A_178 = arith.constant 0 : i32
      %dma_wait3A_179 = tpu.memref_slice %arg2[%dma_wait3A_177, %dma_wait3A_178] : memref<10240x128xf32, #tpu.memory_space<hbm>> -> memref<10240x128xf32, #tpu.memory_space<hbm>>
      tpu.wait_indirect_dma semaphore(%arg12 : memref<!tpu.dma_semaphore, #tpu.memory_space<semaphore_mem>>) src(%dma_wait3A_179 : memref<10240x128xf32, #tpu.memory_space<hbm>>) dst(%dma_wait3A_174 : memref<96x128xf32, #tpu.memory_space<vmem>>)
      %add3A_180 = arith.constant 1 : i32
      %add3A_181 = arith.addi %mul3A_123, %add3A_180 : i32
      %dma_start3A_182 = arith.constant 1 : i32
      %dma_start3A_183 = arith.constant 0 : i32
      %dma_start3A_184 = arith.constant 0 : i32
      %dma_start3A_185 = tpu.memref_slice %arg9[%dma_start3A_182, %dma_start3A_183, %dma_start3A_184] : memref<2x96x128xf32, #tpu.memory_space<vmem>> -> memref<1x96x128xf32, #tpu.memory_space<vmem>>
      %dma_start3A_186 = tpu.memref_squeeze %dma_start3A_185 : memref<1x96x128xf32, #tpu.memory_space<vmem>> -> memref<96x128xf32, #tpu.memory_space<vmem>>
      %dma_start3A_187 = arith.constant 0 : i32
      %dma_start3A_188 = tpu.memref_slice %arg8[%add3A_181, %dma_start3A_187] : memref<106x96xi32, #tpu.memory_space<vmem>> -> memref<1x96xi32, #tpu.memory_space<vmem>>
      %dma_start3A_189 = tpu.memref_squeeze %dma_start3A_188 : memref<1x96xi32, #tpu.memory_space<vmem>> -> memref<96xi32, #tpu.memory_space<vmem>>
      %dma_start3A_190 = arith.constant 0 : i32
      %dma_start3A_191 = arith.constant 0 : i32
      %dma_start3A_192 = tpu.memref_slice %arg10[%dma_start3A_190, %dma_start3A_191] : memref<10240x128xf32, #tpu.memory_space<vmem_shared>> -> memref<10240x128xf32, #tpu.memory_space<vmem_shared>>
      tpu.enqueue_indirect_dma source(%dma_start3A_186 : memref<96x128xf32, #tpu.memory_space<vmem>>) target(%dma_start3A_192 : memref<10240x128xf32, #tpu.memory_space<vmem_shared>>) offsets(%dma_start3A_189 : memref<96xi32, #tpu.memory_space<vmem>>) semaphore(%arg14 : memref<!tpu.dma_semaphore, #tpu.memory_space<semaphore_mem>>) {add = true}
      %dma_wait3A_193 = arith.constant 0 : i32
      %dma_wait3A_194 = arith.constant 0 : i32
      %dma_wait3A_195 = arith.constant 0 : i32
      %dma_wait3A_196 = arith.constant 0 : i32
      %dma_wait3A_197 = tpu.memref_slice %arg9[%dma_wait3A_193, %dma_wait3A_195, %dma_wait3A_196] : memref<2x96x128xf32, #tpu.memory_space<vmem>> -> memref<1x96x128xf32, #tpu.memory_space<vmem>>
      %dma_wait3A_198 = tpu.memref_squeeze %dma_wait3A_197 : memref<1x96x128xf32, #tpu.memory_space<vmem>> -> memref<96x128xf32, #tpu.memory_space<vmem>>
      %dma_wait3A_199 = arith.constant 0 : i32
      %dma_wait3A_200 = tpu.memref_slice %arg8[%dma_wait3A_194, %dma_wait3A_199] : memref<106x96xi32, #tpu.memory_space<vmem>> -> memref<1x96xi32, #tpu.memory_space<vmem>>
      %dma_wait3A_201 = tpu.memref_squeeze %dma_wait3A_200 : memref<1x96xi32, #tpu.memory_space<vmem>> -> memref<96xi32, #tpu.memory_space<vmem>>
      %dma_wait3A_202 = arith.constant 0 : i32
      %dma_wait3A_203 = arith.constant 0 : i32
      %dma_wait3A_204 = tpu.memref_slice %arg10[%dma_wait3A_202, %dma_wait3A_203] : memref<10240x128xf32, #tpu.memory_space<vmem_shared>> -> memref<10240x128xf32, #tpu.memory_space<vmem_shared>>
      tpu.wait_indirect_dma semaphore(%arg13 : memref<!tpu.dma_semaphore, #tpu.memory_space<semaphore_mem>>) src(%dma_wait3A_198 : memref<96x128xf32, #tpu.memory_space<vmem>>) dst(%dma_wait3A_204 : memref<10240x128xf32, #tpu.memory_space<vmem_shared>>)
      %add3A_205 = arith.constant 2 : i32
      %add3A_206 = arith.addi %mul3A_123, %add3A_205 : i32
      %min3A = arith.constant 105 : i32
      %min3A_207 = arith.minsi %add3A_206, %min3A : i32
      %mul3A_208 = arith.constant 96 : i32
      %mul3A_209 = arith.muli %min3A_207, %mul3A_208 : i32
      %dma_start3A_210 = arith.constant 0 : i32
      %dma_start3A_211 = arith.constant 0 : i32
      %dma_start3A_212 = arith.constant 0 : i32
      %dma_start3A_213 = tpu.memref_slice %arg9[%dma_start3A_210, %dma_start3A_211, %dma_start3A_212] : memref<2x96x128xf32, #tpu.memory_space<vmem>> -> memref<1x96x128xf32, #tpu.memory_space<vmem>>
      %dma_start3A_214 = tpu.memref_squeeze %dma_start3A_213 : memref<1x96x128xf32, #tpu.memory_space<vmem>> -> memref<96x128xf32, #tpu.memory_space<vmem>>
      %dma_start3A_215 = tpu.memref_slice %arg7[%mul3A_209] : memref<10176xi32, #tpu.memory_space<vmem>> -> memref<96xi32, #tpu.memory_space<vmem>>
      %dma_start3A_216 = arith.constant 0 : i32
      %dma_start3A_217 = arith.constant 0 : i32
      %dma_start3A_218 = tpu.memref_slice %arg2[%dma_start3A_216, %dma_start3A_217] : memref<10240x128xf32, #tpu.memory_space<hbm>> -> memref<10240x128xf32, #tpu.memory_space<hbm>>
      tpu.enqueue_indirect_dma source(%dma_start3A_218 : memref<10240x128xf32, #tpu.memory_space<hbm>>) target(%dma_start3A_214 : memref<96x128xf32, #tpu.memory_space<vmem>>) offsets(%dma_start3A_215 : memref<96xi32, #tpu.memory_space<vmem>>) semaphore(%arg11 : memref<!tpu.dma_semaphore, #tpu.memory_space<semaphore_mem>>)
    }
    %scan3A_93 = arith.constant 52 : i32
    %dma_wait3A_94 = arith.constant 0 : i32
    %dma_wait3A_95 = arith.constant 0 : i32
    %dma_wait3A_96 = arith.constant 0 : i32
    %dma_wait3A_97 = tpu.memref_slice %arg9[%dma_wait3A_94, %dma_wait3A_95, %dma_wait3A_96] : memref<2x96x128xf32, #tpu.memory_space<vmem>> -> memref<1x96x128xf32, #tpu.memory_space<vmem>>
    %dma_wait3A_98 = tpu.memref_squeeze %dma_wait3A_97 : memref<1x96x128xf32, #tpu.memory_space<vmem>> -> memref<96x128xf32, #tpu.memory_space<vmem>>
    %dma_wait3A_99 = arith.constant 0 : i32
    %dma_wait3A_100 = tpu.memref_slice %arg7[%dma_wait3A_99] : memref<10176xi32, #tpu.memory_space<vmem>> -> memref<96xi32, #tpu.memory_space<vmem>>
    %dma_wait3A_101 = arith.constant 0 : i32
    %dma_wait3A_102 = arith.constant 0 : i32
    %dma_wait3A_103 = tpu.memref_slice %arg2[%dma_wait3A_101, %dma_wait3A_102] : memref<10240x128xf32, #tpu.memory_space<hbm>> -> memref<10240x128xf32, #tpu.memory_space<hbm>>
    tpu.wait_indirect_dma semaphore(%arg11 : memref<!tpu.dma_semaphore, #tpu.memory_space<semaphore_mem>>) src(%dma_wait3A_103 : memref<10240x128xf32, #tpu.memory_space<hbm>>) dst(%dma_wait3A_98 : memref<96x128xf32, #tpu.memory_space<vmem>>)
    %dma_wait3A_104 = arith.constant 1 : i32
    %dma_wait3A_105 = arith.constant 0 : i32
    %dma_wait3A_106 = arith.constant 0 : i32
    %dma_wait3A_107 = arith.constant 0 : i32
    %dma_wait3A_108 = tpu.memref_slice %arg9[%dma_wait3A_104, %dma_wait3A_106, %dma_wait3A_107] : memref<2x96x128xf32, #tpu.memory_space<vmem>> -> memref<1x96x128xf32, #tpu.memory_space<vmem>>
    %dma_wait3A_109 = tpu.memref_squeeze %dma_wait3A_108 : memref<1x96x128xf32, #tpu.memory_space<vmem>> -> memref<96x128xf32, #tpu.memory_space<vmem>>
    %dma_wait3A_110 = arith.constant 0 : i32
    %dma_wait3A_111 = tpu.memref_slice %arg8[%dma_wait3A_105, %dma_wait3A_110] : memref<106x96xi32, #tpu.memory_space<vmem>> -> memref<1x96xi32, #tpu.memory_space<vmem>>
    %dma_wait3A_112 = tpu.memref_squeeze %dma_wait3A_111 : memref<1x96xi32, #tpu.memory_space<vmem>> -> memref<96xi32, #tpu.memory_space<vmem>>
    %dma_wait3A_113 = arith.constant 0 : i32
    %dma_wait3A_114 = arith.constant 0 : i32
    %dma_wait3A_115 = tpu.memref_slice %arg10[%dma_wait3A_113, %dma_wait3A_114] : memref<10240x128xf32, #tpu.memory_space<vmem_shared>> -> memref<10240x128xf32, #tpu.memory_space<vmem_shared>>
    tpu.wait_indirect_dma semaphore(%arg14 : memref<!tpu.dma_semaphore, #tpu.memory_space<semaphore_mem>>) src(%dma_wait3A_109 : memref<96x128xf32, #tpu.memory_space<vmem>>) dst(%dma_wait3A_115 : memref<10240x128xf32, #tpu.memory_space<vmem_shared>>)
    %barrier3A_116 = arith.constant 0 : index
    tpu.barrier barrier_id(%barrier3A_116)
    %mul3A_117 = arith.constant 640 : i32
    %mul3A_118 = arith.muli %arg1, %mul3A_117 : i32
    %mul3A_119 = arith.constant 640 : i32
    %mul3A_120 = arith.muli %arg1, %mul3A_119 : i32
    "tpu.region"() ({
      %run_scoped3A = tpu.sem_alloc : memref<!tpu.dma_semaphore, #tpu.memory_space<semaphore_mem>>
      %dma_start3A_121 = arith.constant 0 : i32
      %dma_start3A_122 = tpu.memref_slice %arg6[%arg0, %mul3A_120, %dma_start3A_121] : memref<2x10240x128xf32, #tpu.memory_space<hbm>> -> memref<1x640x128xf32, #tpu.memory_space<hbm>>
      %dma_start3A_123 = tpu.memref_squeeze %dma_start3A_122 : memref<1x640x128xf32, #tpu.memory_space<hbm>> -> memref<640x128xf32, #tpu.memory_space<hbm>>
      %dma_start3A_124 = arith.constant 0 : i32
      %dma_start3A_125 = tpu.memref_slice %arg10[%mul3A_118, %dma_start3A_124] : memref<10240x128xf32, #tpu.memory_space<vmem_shared>> -> memref<640x128xf32, #tpu.memory_space<vmem_shared>>
      tpu.enqueue_dma source(%dma_start3A_125 : memref<640x128xf32, #tpu.memory_space<vmem_shared>>) target(%dma_start3A_123 : memref<640x128xf32, #tpu.memory_space<hbm>>) target_semaphore(%run_scoped3A : memref<!tpu.dma_semaphore, #tpu.memory_space<semaphore_mem>>)
      %dma_wait3A_126 = arith.constant 0 : i32
      %dma_wait3A_127 = tpu.memref_slice %arg6[%arg0, %mul3A_120, %dma_wait3A_126] : memref<2x10240x128xf32, #tpu.memory_space<hbm>> -> memref<1x640x128xf32, #tpu.memory_space<hbm>>
      %dma_wait3A_128 = tpu.memref_squeeze %dma_wait3A_127 : memref<1x640x128xf32, #tpu.memory_space<hbm>> -> memref<640x128xf32, #tpu.memory_space<hbm>>
      %dma_wait3A_129 = arith.constant 0 : i32
      %dma_wait3A_130 = tpu.memref_slice %arg10[%mul3A_118, %dma_wait3A_129] : memref<10240x128xf32, #tpu.memory_space<vmem_shared>> -> memref<640x128xf32, #tpu.memory_space<vmem_shared>>
      tpu.wait_dma2 semaphore(%run_scoped3A : memref<!tpu.dma_semaphore, #tpu.memory_space<semaphore_mem>>) src(%dma_wait3A_130 : memref<640x128xf32, #tpu.memory_space<vmem_shared>>) dst(%dma_wait3A_128 : memref<640x128xf32, #tpu.memory_space<hbm>>)
      tpu.yield
    }) : () -> ()
    return
  }
}

#map = affine_map<(d0, d1) -> (0, 0)>
module attributes {stable_mosaic.version = 14 : i64} {
  func.func @deg_kernel(%arg0: i32, %arg1: i32, %arg2: memref<32x10176xi32, #tpu.memory_space<hbm>>, %arg3: memref<2x10240xf32, #tpu.memory_space<hbm>>, %arg4: memref<10176xi32, #tpu.memory_space<vmem>>, %arg5: memref<10240xf32, #tpu.memory_space<vmem>>, %arg6: memref<16x640xf32, #tpu.memory_space<vmem>>, %arg7: memref<640xf32, #tpu.memory_space<vmem>>, %arg8: memref<16x10240xf32, #tpu.memory_space<vmem_shared>>) attributes {dimension_semantics = [#tpu.dimension_semantics<core_parallel>, #tpu.dimension_semantics<subcore_parallel>], iteration_bounds = array<i64: 2, 16>, scalar_prefetch = 0 : i64, scratch_operands = 5 : i64, tpu.core_type = #tpu.core_type<sc_vector_subcore>, window_params = [{transform_indices = #map}, {transform_indices = #map}]} {
    %mul3A = arith.constant 16 : i32
    %mul3A_0 = arith.muli %arg0, %mul3A : i32
    %add3A = arith.addi %mul3A_0, %arg1 : i32
    %broadcast_in_dim3A = arith.constant 0.000000e+00 : f32
    %broadcast_in_dim3A_1 = vector.broadcast %broadcast_in_dim3A : f32 to vector<16xf32>
    %scan3A = arith.constant 0 : i32
    %scan3A_2 = arith.constant 0 : i32
    %scan3A_3 = arith.constant 640 : i32
    %scan3A_4 = arith.addi %scan3A_2, %scan3A_3 : i32
    %scan3A_5 = arith.constant 1 : i32
    scf.for %scan3A_25 = %scan3A_2 to %scan3A_4 step %scan3A_5  : i32 {
      %mul3A_26 = arith.constant 16 : i32
      %mul3A_27 = arith.muli %scan3A_25, %mul3A_26 : i32
      %swap3A = arith.index_cast %mul3A_27 : i32 to index
      %swap3A_28 = tpu.vector_load %arg5[%swap3A] {strides = array<i32>} : memref<10240xf32, #tpu.memory_space<vmem>>, vector<16xf32>,
      tpu.vector_store %arg5[%swap3A], %broadcast_in_dim3A_1 {strides = array<i32>} : memref<10240xf32, #tpu.memory_space<vmem>>, vector<16xf32>,
    }
    %scan3A_6 = arith.constant 640 : i32
    "tpu.region"() ({
      %run_scoped3A = tpu.sem_alloc : memref<!tpu.dma_semaphore, #tpu.memory_space<semaphore_mem>>
      %dma_start3A = arith.constant 0 : i32
      %dma_start3A_25 = tpu.memref_slice %arg2[%add3A, %dma_start3A] : memref<32x10176xi32, #tpu.memory_space<hbm>> -> memref<1x10176xi32, #tpu.memory_space<hbm>>
      %dma_start3A_26 = tpu.memref_squeeze %dma_start3A_25 : memref<1x10176xi32, #tpu.memory_space<hbm>> -> memref<10176xi32, #tpu.memory_space<hbm>>
      %dma_start3A_27 = arith.constant 0 : i32
      %dma_start3A_28 = tpu.memref_slice %arg2[%add3A, %dma_start3A_27] : memref<32x10176xi32, #tpu.memory_space<hbm>> -> memref<1x10176xi32, #tpu.memory_space<hbm>>
      %dma_start3A_29 = tpu.memref_squeeze %dma_start3A_28 : memref<1x10176xi32, #tpu.memory_space<hbm>> -> memref<10176xi32, #tpu.memory_space<hbm>>
      tpu.enqueue_dma source(%dma_start3A_29 : memref<10176xi32, #tpu.memory_space<hbm>>) target(%arg4 : memref<10176xi32, #tpu.memory_space<vmem>>) target_semaphore(%run_scoped3A : memref<!tpu.dma_semaphore, #tpu.memory_space<semaphore_mem>>)
      %dma_wait3A = arith.constant 0 : i32
      %dma_wait3A_30 = tpu.memref_slice %arg2[%add3A, %dma_wait3A] : memref<32x10176xi32, #tpu.memory_space<hbm>> -> memref<1x10176xi32, #tpu.memory_space<hbm>>
      %dma_wait3A_31 = tpu.memref_squeeze %dma_wait3A_30 : memref<1x10176xi32, #tpu.memory_space<hbm>> -> memref<10176xi32, #tpu.memory_space<hbm>>
      %dma_wait3A_32 = arith.constant 0 : i32
      %dma_wait3A_33 = tpu.memref_slice %arg2[%add3A, %dma_wait3A_32] : memref<32x10176xi32, #tpu.memory_space<hbm>> -> memref<1x10176xi32, #tpu.memory_space<hbm>>
      %dma_wait3A_34 = tpu.memref_squeeze %dma_wait3A_33 : memref<1x10176xi32, #tpu.memory_space<hbm>> -> memref<10176xi32, #tpu.memory_space<hbm>>
      tpu.wait_dma2 semaphore(%run_scoped3A : memref<!tpu.dma_semaphore, #tpu.memory_space<semaphore_mem>>) src(%dma_wait3A_34 : memref<10176xi32, #tpu.memory_space<hbm>>) dst(%arg4 : memref<10176xi32, #tpu.memory_space<vmem>>)
      tpu.yield
    }) : () -> ()
    %broadcast_in_dim3A_7 = arith.constant 1.000000e+00 : f32
    %broadcast_in_dim3A_8 = vector.broadcast %broadcast_in_dim3A_7 : f32 to vector<16xf32>
    %scan3A_9 = arith.constant 0 : i32
    %scan3A_10 = arith.constant 0 : i32
    %scan3A_11 = arith.constant 636 : i32
    %scan3A_12 = arith.addi %scan3A_10, %scan3A_11 : i32
    %scan3A_13 = arith.constant 1 : i32
    scf.for %scan3A_25 = %scan3A_10 to %scan3A_12 step %scan3A_13  : i32 {
      %mul3A_26 = arith.constant 16 : i32
      %mul3A_27 = arith.muli %scan3A_25, %mul3A_26 : i32
      %get3A = arith.index_cast %mul3A_27 : i32 to index
      %get3A_28 = tpu.vector_load %arg4[%get3A] {strides = array<i32>} : memref<10176xi32, #tpu.memory_space<vmem>>, vector<16xi32>,
      tpu.vector_store_idx %arg5[%get3A_28], %broadcast_in_dim3A_8 {add = true} : memref<10240xf32, #tpu.memory_space<vmem>>[vector<16xi32>], vector<16xf32>,
    }
    %scan3A_14 = arith.constant 636 : i32
    "tpu.region"() ({
      %run_scoped3A = tpu.sem_alloc : memref<!tpu.dma_semaphore, #tpu.memory_space<semaphore_mem>>
      %dma_start3A = arith.constant 0 : i32
      %dma_start3A_25 = tpu.memref_slice %arg8[%arg1, %dma_start3A] : memref<16x10240xf32, #tpu.memory_space<vmem_shared>> -> memref<1x10240xf32, #tpu.memory_space<vmem_shared>>
      %dma_start3A_26 = tpu.memref_squeeze %dma_start3A_25 : memref<1x10240xf32, #tpu.memory_space<vmem_shared>> -> memref<10240xf32, #tpu.memory_space<vmem_shared>>
      %dma_start3A_27 = arith.constant 0 : i32
      %dma_start3A_28 = tpu.memref_slice %arg8[%arg1, %dma_start3A_27] : memref<16x10240xf32, #tpu.memory_space<vmem_shared>> -> memref<1x10240xf32, #tpu.memory_space<vmem_shared>>
      %dma_start3A_29 = tpu.memref_squeeze %dma_start3A_28 : memref<1x10240xf32, #tpu.memory_space<vmem_shared>> -> memref<10240xf32, #tpu.memory_space<vmem_shared>>
      tpu.enqueue_dma source(%arg5 : memref<10240xf32, #tpu.memory_space<vmem>>) target(%dma_start3A_29 : memref<10240xf32, #tpu.memory_space<vmem_shared>>) target_semaphore(%run_scoped3A : memref<!tpu.dma_semaphore, #tpu.memory_space<semaphore_mem>>)
      %dma_wait3A = arith.constant 0 : i32
      %dma_wait3A_30 = tpu.memref_slice %arg8[%arg1, %dma_wait3A] : memref<16x10240xf32, #tpu.memory_space<vmem_shared>> -> memref<1x10240xf32, #tpu.memory_space<vmem_shared>>
      %dma_wait3A_31 = tpu.memref_squeeze %dma_wait3A_30 : memref<1x10240xf32, #tpu.memory_space<vmem_shared>> -> memref<10240xf32, #tpu.memory_space<vmem_shared>>
      %dma_wait3A_32 = arith.constant 0 : i32
      %dma_wait3A_33 = tpu.memref_slice %arg8[%arg1, %dma_wait3A_32] : memref<16x10240xf32, #tpu.memory_space<vmem_shared>> -> memref<1x10240xf32, #tpu.memory_space<vmem_shared>>
      %dma_wait3A_34 = tpu.memref_squeeze %dma_wait3A_33 : memref<1x10240xf32, #tpu.memory_space<vmem_shared>> -> memref<10240xf32, #tpu.memory_space<vmem_shared>>
      tpu.wait_dma2 semaphore(%run_scoped3A : memref<!tpu.dma_semaphore, #tpu.memory_space<semaphore_mem>>) src(%arg5 : memref<10240xf32, #tpu.memory_space<vmem>>) dst(%dma_wait3A_34 : memref<10240xf32, #tpu.memory_space<vmem_shared>>)
      tpu.yield
    }) : () -> ()
    %barrier3A = arith.constant 0 : index
    tpu.barrier barrier_id(%barrier3A)
    %mul3A_15 = arith.constant 640 : i32
    %mul3A_16 = arith.muli %arg1, %mul3A_15 : i32
    "tpu.region"() ({
      %run_scoped3A = tpu.sem_alloc : memref<!tpu.dma_semaphore, #tpu.memory_space<semaphore_mem>>
      %dma_start3A = arith.constant 0 : i32
      %dma_start3A_25 = tpu.memref_slice %arg8[%dma_start3A, %mul3A_16] : memref<16x10240xf32, #tpu.memory_space<vmem_shared>> -> memref<16x640xf32, #tpu.memory_space<vmem_shared>>
      %dma_start3A_26 = arith.constant 0 : i32
      %dma_start3A_27 = tpu.memref_slice %arg8[%dma_start3A_26, %mul3A_16] : memref<16x10240xf32, #tpu.memory_space<vmem_shared>> -> memref<16x640xf32, #tpu.memory_space<vmem_shared>>
      tpu.enqueue_dma source(%dma_start3A_27 : memref<16x640xf32, #tpu.memory_space<vmem_shared>>) target(%arg6 : memref<16x640xf32, #tpu.memory_space<vmem>>) target_semaphore(%run_scoped3A : memref<!tpu.dma_semaphore, #tpu.memory_space<semaphore_mem>>)
      %dma_wait3A = arith.constant 0 : i32
      %dma_wait3A_28 = tpu.memref_slice %arg8[%dma_wait3A, %mul3A_16] : memref<16x10240xf32, #tpu.memory_space<vmem_shared>> -> memref<16x640xf32, #tpu.memory_space<vmem_shared>>
      %dma_wait3A_29 = arith.constant 0 : i32
      %dma_wait3A_30 = tpu.memref_slice %arg8[%dma_wait3A_29, %mul3A_16] : memref<16x10240xf32, #tpu.memory_space<vmem_shared>> -> memref<16x640xf32, #tpu.memory_space<vmem_shared>>
      tpu.wait_dma2 semaphore(%run_scoped3A : memref<!tpu.dma_semaphore, #tpu.memory_space<semaphore_mem>>) src(%dma_wait3A_30 : memref<16x640xf32, #tpu.memory_space<vmem_shared>>) dst(%arg6 : memref<16x640xf32, #tpu.memory_space<vmem>>)
      tpu.yield
    }) : () -> ()
    %scan3A_17 = arith.constant 0 : i32
    %scan3A_18 = arith.constant 0 : i32
    %scan3A_19 = arith.constant 40 : i32
    %scan3A_20 = arith.addi %scan3A_18, %scan3A_19 : i32
    %scan3A_21 = arith.constant 1 : i32
    scf.for %scan3A_25 = %scan3A_18 to %scan3A_20 step %scan3A_21  : i32 {
      %mul3A_26 = arith.constant 16 : i32
      %mul3A_27 = arith.muli %scan3A_25, %mul3A_26 : i32
      %get3A = arith.constant 0 : i32
      %get3A_28 = arith.index_cast %get3A : i32 to index
      %get3A_29 = arith.index_cast %mul3A_27 : i32 to index
      %get3A_30 = tpu.vector_load %arg6[%get3A_28, %get3A_29] {strides = array<i32>} : memref<16x640xf32, #tpu.memory_space<vmem>>, vector<16xf32>,
      %mul3A_31 = arith.constant 16 : i32
      %mul3A_32 = arith.muli %scan3A_25, %mul3A_31 : i32
      %get3A_33 = arith.constant 1 : i32
      %get3A_34 = arith.index_cast %get3A_33 : i32 to index
      %get3A_35 = arith.index_cast %mul3A_32 : i32 to index
      %get3A_36 = tpu.vector_load %arg6[%get3A_34, %get3A_35] {strides = array<i32>} : memref<16x640xf32, #tpu.memory_space<vmem>>, vector<16xf32>,
      %add3A_37 = arith.addf %get3A_30, %get3A_36 : vector<16xf32>
      %mul3A_38 = arith.constant 16 : i32
      %mul3A_39 = arith.muli %scan3A_25, %mul3A_38 : i32
      %get3A_40 = arith.constant 2 : i32
      %get3A_41 = arith.index_cast %get3A_40 : i32 to index
      %get3A_42 = arith.index_cast %mul3A_39 : i32 to index
      %get3A_43 = tpu.vector_load %arg6[%get3A_41, %get3A_42] {strides = array<i32>} : memref<16x640xf32, #tpu.memory_space<vmem>>, vector<16xf32>,
      %add3A_44 = arith.addf %add3A_37, %get3A_43 : vector<16xf32>
      %mul3A_45 = arith.constant 16 : i32
      %mul3A_46 = arith.muli %scan3A_25, %mul3A_45 : i32
      %get3A_47 = arith.constant 3 : i32
      %get3A_48 = arith.index_cast %get3A_47 : i32 to index
      %get3A_49 = arith.index_cast %mul3A_46 : i32 to index
      %get3A_50 = tpu.vector_load %arg6[%get3A_48, %get3A_49] {strides = array<i32>} : memref<16x640xf32, #tpu.memory_space<vmem>>, vector<16xf32>,
      %add3A_51 = arith.addf %add3A_44, %get3A_50 : vector<16xf32>
      %mul3A_52 = arith.constant 16 : i32
      %mul3A_53 = arith.muli %scan3A_25, %mul3A_52 : i32
      %get3A_54 = arith.constant 4 : i32
      %get3A_55 = arith.index_cast %get3A_54 : i32 to index
      %get3A_56 = arith.index_cast %mul3A_53 : i32 to index
      %get3A_57 = tpu.vector_load %arg6[%get3A_55, %get3A_56] {strides = array<i32>} : memref<16x640xf32, #tpu.memory_space<vmem>>, vector<16xf32>,
      %add3A_58 = arith.addf %add3A_51, %get3A_57 : vector<16xf32>
      %mul3A_59 = arith.constant 16 : i32
      %mul3A_60 = arith.muli %scan3A_25, %mul3A_59 : i32
      %get3A_61 = arith.constant 5 : i32
      %get3A_62 = arith.index_cast %get3A_61 : i32 to index
      %get3A_63 = arith.index_cast %mul3A_60 : i32 to index
      %get3A_64 = tpu.vector_load %arg6[%get3A_62, %get3A_63] {strides = array<i32>} : memref<16x640xf32, #tpu.memory_space<vmem>>, vector<16xf32>,
      %add3A_65 = arith.addf %add3A_58, %get3A_64 : vector<16xf32>
      %mul3A_66 = arith.constant 16 : i32
      %mul3A_67 = arith.muli %scan3A_25, %mul3A_66 : i32
      %get3A_68 = arith.constant 6 : i32
      %get3A_69 = arith.index_cast %get3A_68 : i32 to index
      %get3A_70 = arith.index_cast %mul3A_67 : i32 to index
      %get3A_71 = tpu.vector_load %arg6[%get3A_69, %get3A_70] {strides = array<i32>} : memref<16x640xf32, #tpu.memory_space<vmem>>, vector<16xf32>,
      %add3A_72 = arith.addf %add3A_65, %get3A_71 : vector<16xf32>
      %mul3A_73 = arith.constant 16 : i32
      %mul3A_74 = arith.muli %scan3A_25, %mul3A_73 : i32
      %get3A_75 = arith.constant 7 : i32
      %get3A_76 = arith.index_cast %get3A_75 : i32 to index
      %get3A_77 = arith.index_cast %mul3A_74 : i32 to index
      %get3A_78 = tpu.vector_load %arg6[%get3A_76, %get3A_77] {strides = array<i32>} : memref<16x640xf32, #tpu.memory_space<vmem>>, vector<16xf32>,
      %add3A_79 = arith.addf %add3A_72, %get3A_78 : vector<16xf32>
      %mul3A_80 = arith.constant 16 : i32
      %mul3A_81 = arith.muli %scan3A_25, %mul3A_80 : i32
      %get3A_82 = arith.constant 8 : i32
      %get3A_83 = arith.index_cast %get3A_82 : i32 to index
      %get3A_84 = arith.index_cast %mul3A_81 : i32 to index
      %get3A_85 = tpu.vector_load %arg6[%get3A_83, %get3A_84] {strides = array<i32>} : memref<16x640xf32, #tpu.memory_space<vmem>>, vector<16xf32>,
      %add3A_86 = arith.addf %add3A_79, %get3A_85 : vector<16xf32>
      %mul3A_87 = arith.constant 16 : i32
      %mul3A_88 = arith.muli %scan3A_25, %mul3A_87 : i32
      %get3A_89 = arith.constant 9 : i32
      %get3A_90 = arith.index_cast %get3A_89 : i32 to index
      %get3A_91 = arith.index_cast %mul3A_88 : i32 to index
      %get3A_92 = tpu.vector_load %arg6[%get3A_90, %get3A_91] {strides = array<i32>} : memref<16x640xf32, #tpu.memory_space<vmem>>, vector<16xf32>,
      %add3A_93 = arith.addf %add3A_86, %get3A_92 : vector<16xf32>
      %mul3A_94 = arith.constant 16 : i32
      %mul3A_95 = arith.muli %scan3A_25, %mul3A_94 : i32
      %get3A_96 = arith.constant 10 : i32
      %get3A_97 = arith.index_cast %get3A_96 : i32 to index
      %get3A_98 = arith.index_cast %mul3A_95 : i32 to index
      %get3A_99 = tpu.vector_load %arg6[%get3A_97, %get3A_98] {strides = array<i32>} : memref<16x640xf32, #tpu.memory_space<vmem>>, vector<16xf32>,
      %add3A_100 = arith.addf %add3A_93, %get3A_99 : vector<16xf32>
      %mul3A_101 = arith.constant 16 : i32
      %mul3A_102 = arith.muli %scan3A_25, %mul3A_101 : i32
      %get3A_103 = arith.constant 11 : i32
      %get3A_104 = arith.index_cast %get3A_103 : i32 to index
      %get3A_105 = arith.index_cast %mul3A_102 : i32 to index
      %get3A_106 = tpu.vector_load %arg6[%get3A_104, %get3A_105] {strides = array<i32>} : memref<16x640xf32, #tpu.memory_space<vmem>>, vector<16xf32>,
      %add3A_107 = arith.addf %add3A_100, %get3A_106 : vector<16xf32>
      %mul3A_108 = arith.constant 16 : i32
      %mul3A_109 = arith.muli %scan3A_25, %mul3A_108 : i32
      %get3A_110 = arith.constant 12 : i32
      %get3A_111 = arith.index_cast %get3A_110 : i32 to index
      %get3A_112 = arith.index_cast %mul3A_109 : i32 to index
      %get3A_113 = tpu.vector_load %arg6[%get3A_111, %get3A_112] {strides = array<i32>} : memref<16x640xf32, #tpu.memory_space<vmem>>, vector<16xf32>,
      %add3A_114 = arith.addf %add3A_107, %get3A_113 : vector<16xf32>
      %mul3A_115 = arith.constant 16 : i32
      %mul3A_116 = arith.muli %scan3A_25, %mul3A_115 : i32
      %get3A_117 = arith.constant 13 : i32
      %get3A_118 = arith.index_cast %get3A_117 : i32 to index
      %get3A_119 = arith.index_cast %mul3A_116 : i32 to index
      %get3A_120 = tpu.vector_load %arg6[%get3A_118, %get3A_119] {strides = array<i32>} : memref<16x640xf32, #tpu.memory_space<vmem>>, vector<16xf32>,
      %add3A_121 = arith.addf %add3A_114, %get3A_120 : vector<16xf32>
      %mul3A_122 = arith.constant 16 : i32
      %mul3A_123 = arith.muli %scan3A_25, %mul3A_122 : i32
      %get3A_124 = arith.constant 14 : i32
      %get3A_125 = arith.index_cast %get3A_124 : i32 to index
      %get3A_126 = arith.index_cast %mul3A_123 : i32 to index
      %get3A_127 = tpu.vector_load %arg6[%get3A_125, %get3A_126] {strides = array<i32>} : memref<16x640xf32, #tpu.memory_space<vmem>>, vector<16xf32>,
      %add3A_128 = arith.addf %add3A_121, %get3A_127 : vector<16xf32>
      %mul3A_129 = arith.constant 16 : i32
      %mul3A_130 = arith.muli %scan3A_25, %mul3A_129 : i32
      %get3A_131 = arith.constant 15 : i32
      %get3A_132 = arith.index_cast %get3A_131 : i32 to index
      %get3A_133 = arith.index_cast %mul3A_130 : i32 to index
      %get3A_134 = tpu.vector_load %arg6[%get3A_132, %get3A_133] {strides = array<i32>} : memref<16x640xf32, #tpu.memory_space<vmem>>, vector<16xf32>,
      %add3A_135 = arith.addf %add3A_128, %get3A_134 : vector<16xf32>
      %mul3A_136 = arith.constant 16 : i32
      %mul3A_137 = arith.muli %scan3A_25, %mul3A_136 : i32
      %swap3A = arith.index_cast %mul3A_137 : i32 to index
      %swap3A_138 = tpu.vector_load %arg7[%swap3A] {strides = array<i32>} : memref<640xf32, #tpu.memory_space<vmem>>, vector<16xf32>,
      tpu.vector_store %arg7[%swap3A], %add3A_135 {strides = array<i32>} : memref<640xf32, #tpu.memory_space<vmem>>, vector<16xf32>,
    }
    %scan3A_22 = arith.constant 40 : i32
    %mul3A_23 = arith.constant 640 : i32
    %mul3A_24 = arith.muli %arg1, %mul3A_23 : i32
    "tpu.region"() ({
      %run_scoped3A = tpu.sem_alloc : memref<!tpu.dma_semaphore, #tpu.memory_space<semaphore_mem>>
      %dma_start3A = tpu.memref_slice %arg3[%arg0, %mul3A_24] : memref<2x10240xf32, #tpu.memory_space<hbm>> -> memref<1x640xf32, #tpu.memory_space<hbm>>
      %dma_start3A_25 = tpu.memref_squeeze %dma_start3A : memref<1x640xf32, #tpu.memory_space<hbm>> -> memref<640xf32, #tpu.memory_space<hbm>>
      %dma_start3A_26 = tpu.memref_slice %arg3[%arg0, %mul3A_24] : memref<2x10240xf32, #tpu.memory_space<hbm>> -> memref<1x640xf32, #tpu.memory_space<hbm>>
      %dma_start3A_27 = tpu.memref_squeeze %dma_start3A_26 : memref<1x640xf32, #tpu.memory_space<hbm>> -> memref<640xf32, #tpu.memory_space<hbm>>
      tpu.enqueue_dma source(%arg7 : memref<640xf32, #tpu.memory_space<vmem>>) target(%dma_start3A_27 : memref<640xf32, #tpu.memory_space<hbm>>) target_semaphore(%run_scoped3A : memref<!tpu.dma_semaphore, #tpu.memory_space<semaphore_mem>>)
      %dma_wait3A = tpu.memref_slice %arg3[%arg0, %mul3A_24] : memref<2x10240xf32, #tpu.memory_space<hbm>> -> memref<1x640xf32, #tpu.memory_space<hbm>>
      %dma_wait3A_28 = tpu.memref_squeeze %dma_wait3A : memref<1x640xf32, #tpu.memory_space<hbm>> -> memref<640xf32, #tpu.memory_space<hbm>>
      %dma_wait3A_29 = tpu.memref_slice %arg3[%arg0, %mul3A_24] : memref<2x10240xf32, #tpu.memory_space<hbm>> -> memref<1x640xf32, #tpu.memory_space<hbm>>
      %dma_wait3A_30 = tpu.memref_squeeze %dma_wait3A_29 : memref<1x640xf32, #tpu.memory_space<hbm>> -> memref<640xf32, #tpu.memory_space<hbm>>
      tpu.wait_dma2 semaphore(%run_scoped3A : memref<!tpu.dma_semaphore, #tpu.memory_space<semaphore_mem>>) src(%arg7 : memref<640xf32, #tpu.memory_space<vmem>>) dst(%dma_wait3A_30 : memref<640xf32, #tpu.memory_space<hbm>>)
      tpu.yield
    }) : () -> ()
    return
  }
}

#map = affine_map<(d0, d1) -> (0, 0)>
#map1 = affine_map<(d0, d1) -> (0, 0, 0)>
module attributes {stable_mosaic.version = 14 : i64} {
  func.func @agg_kernel(%arg0: i32, %arg1: i32, %arg2: memref<10240x128xf32, #tpu.memory_space<hbm>>, %arg3: memref<32x10176xi32, #tpu.memory_space<hbm>>, %arg4: memref<32x106x96xi32, #tpu.memory_space<hbm>>, %arg5: memref<10240x128xf32, #tpu.memory_space<hbm>>, %arg6: memref<2x10240x128xf32, #tpu.memory_space<hbm>>, %arg7: memref<10176xi32, #tpu.memory_space<vmem>>, %arg8: memref<106x96xi32, #tpu.memory_space<vmem>>, %arg9: memref<2x96x128xf32, #tpu.memory_space<vmem>>, %arg10: memref<10240x128xf32, #tpu.memory_space<vmem_shared>>, %arg11: memref<!tpu.dma_semaphore, #tpu.memory_space<semaphore_mem>>, %arg12: memref<!tpu.dma_semaphore, #tpu.memory_space<semaphore_mem>>, %arg13: memref<!tpu.dma_semaphore, #tpu.memory_space<semaphore_mem>>, %arg14: memref<!tpu.dma_semaphore, #tpu.memory_space<semaphore_mem>>) attributes {dimension_semantics = [#tpu.dimension_semantics<core_parallel>, #tpu.dimension_semantics<subcore_parallel>], iteration_bounds = array<i64: 2, 16>, scalar_prefetch = 0 : i64, scratch_operands = 8 : i64, tpu.core_type = #tpu.core_type<sc_vector_subcore>, window_params = [{transform_indices = #map}, {transform_indices = #map}, {transform_indices = #map1}, {transform_indices = #map}, {transform_indices = #map1}]} {
    %mul3A = arith.constant 16 : i32
    %mul3A_0 = arith.muli %arg0, %mul3A : i32
    %add3A = arith.addi %mul3A_0, %arg1 : i32
    %mul3A_1 = arith.constant 640 : i32
    %mul3A_2 = arith.muli %arg1, %mul3A_1 : i32
    %mul3A_3 = arith.constant 640 : i32
    %mul3A_4 = arith.muli %arg1, %mul3A_3 : i32
    "tpu.region"() ({
      %run_scoped3A = tpu.sem_alloc : memref<!tpu.dma_semaphore, #tpu.memory_space<semaphore_mem>>
      %dma_start3A_121 = arith.constant 0 : i32
      %dma_start3A_122 = tpu.memref_slice %arg10[%mul3A_4, %dma_start3A_121] : memref<10240x128xf32, #tpu.memory_space<vmem_shared>> -> memref<640x128xf32, #tpu.memory_space<vmem_shared>>
      %dma_start3A_123 = arith.constant 0 : i32
      %dma_start3A_124 = tpu.memref_slice %arg5[%mul3A_2, %dma_start3A_123] : memref<10240x128xf32, #tpu.memory_space<hbm>> -> memref<640x128xf32, #tpu.memory_space<hbm>>
      tpu.enqueue_dma source(%dma_start3A_124 : memref<640x128xf32, #tpu.memory_space<hbm>>) target(%dma_start3A_122 : memref<640x128xf32, #tpu.memory_space<vmem_shared>>) target_semaphore(%run_scoped3A : memref<!tpu.dma_semaphore, #tpu.memory_space<semaphore_mem>>)
      %dma_wait3A_125 = arith.constant 0 : i32
      %dma_wait3A_126 = tpu.memref_slice %arg10[%mul3A_4, %dma_wait3A_125] : memref<10240x128xf32, #tpu.memory_space<vmem_shared>> -> memref<640x128xf32, #tpu.memory_space<vmem_shared>>
      %dma_wait3A_127 = arith.constant 0 : i32
      %dma_wait3A_128 = tpu.memref_slice %arg5[%mul3A_2, %dma_wait3A_127] : memref<10240x128xf32, #tpu.memory_space<hbm>> -> memref<640x128xf32, #tpu.memory_space<hbm>>
      tpu.wait_dma2 semaphore(%run_scoped3A : memref<!tpu.dma_semaphore, #tpu.memory_space<semaphore_mem>>) src(%dma_wait3A_128 : memref<640x128xf32, #tpu.memory_space<hbm>>) dst(%dma_wait3A_126 : memref<640x128xf32, #tpu.memory_space<vmem_shared>>)
      tpu.yield
    }) : () -> ()
    "tpu.region"() ({
      %run_scoped3A = tpu.sem_alloc : memref<!tpu.dma_semaphore, #tpu.memory_space<semaphore_mem>>
      %dma_start3A_121 = arith.constant 0 : i32
      %dma_start3A_122 = tpu.memref_slice %arg3[%add3A, %dma_start3A_121] : memref<32x10176xi32, #tpu.memory_space<hbm>> -> memref<1x10176xi32, #tpu.memory_space<hbm>>
      %dma_start3A_123 = tpu.memref_squeeze %dma_start3A_122 : memref<1x10176xi32, #tpu.memory_space<hbm>> -> memref<10176xi32, #tpu.memory_space<hbm>>
      %dma_start3A_124 = arith.constant 0 : i32
      %dma_start3A_125 = tpu.memref_slice %arg3[%add3A, %dma_start3A_124] : memref<32x10176xi32, #tpu.memory_space<hbm>> -> memref<1x10176xi32, #tpu.memory_space<hbm>>
      %dma_start3A_126 = tpu.memref_squeeze %dma_start3A_125 : memref<1x10176xi32, #tpu.memory_space<hbm>> -> memref<10176xi32, #tpu.memory_space<hbm>>
      tpu.enqueue_dma source(%dma_start3A_126 : memref<10176xi32, #tpu.memory_space<hbm>>) target(%arg7 : memref<10176xi32, #tpu.memory_space<vmem>>) target_semaphore(%run_scoped3A : memref<!tpu.dma_semaphore, #tpu.memory_space<semaphore_mem>>)
      %dma_wait3A_127 = arith.constant 0 : i32
      %dma_wait3A_128 = tpu.memref_slice %arg3[%add3A, %dma_wait3A_127] : memref<32x10176xi32, #tpu.memory_space<hbm>> -> memref<1x10176xi32, #tpu.memory_space<hbm>>
      %dma_wait3A_129 = tpu.memref_squeeze %dma_wait3A_128 : memref<1x10176xi32, #tpu.memory_space<hbm>> -> memref<10176xi32, #tpu.memory_space<hbm>>
      %dma_wait3A_130 = arith.constant 0 : i32
      %dma_wait3A_131 = tpu.memref_slice %arg3[%add3A, %dma_wait3A_130] : memref<32x10176xi32, #tpu.memory_space<hbm>> -> memref<1x10176xi32, #tpu.memory_space<hbm>>
      %dma_wait3A_132 = tpu.memref_squeeze %dma_wait3A_131 : memref<1x10176xi32, #tpu.memory_space<hbm>> -> memref<10176xi32, #tpu.memory_space<hbm>>
      tpu.wait_dma2 semaphore(%run_scoped3A : memref<!tpu.dma_semaphore, #tpu.memory_space<semaphore_mem>>) src(%dma_wait3A_132 : memref<10176xi32, #tpu.memory_space<hbm>>) dst(%arg7 : memref<10176xi32, #tpu.memory_space<vmem>>)
      tpu.yield
    }) : () -> ()
    "tpu.region"() ({
      %run_scoped3A = tpu.sem_alloc : memref<!tpu.dma_semaphore, #tpu.memory_space<semaphore_mem>>
      %dma_start3A_121 = arith.constant 0 : i32
      %dma_start3A_122 = arith.constant 0 : i32
      %dma_start3A_123 = tpu.memref_slice %arg4[%add3A, %dma_start3A_121, %dma_start3A_122] : memref<32x106x96xi32, #tpu.memory_space<hbm>> -> memref<1x106x96xi32, #tpu.memory_space<hbm>>
      %dma_start3A_124 = tpu.memref_squeeze %dma_start3A_123 : memref<1x106x96xi32, #tpu.memory_space<hbm>> -> memref<106x96xi32, #tpu.memory_space<hbm>>
      %dma_start3A_125 = arith.constant 0 : i32
      %dma_start3A_126 = arith.constant 0 : i32
      %dma_start3A_127 = tpu.memref_slice %arg4[%add3A, %dma_start3A_125, %dma_start3A_126] : memref<32x106x96xi32, #tpu.memory_space<hbm>> -> memref<1x106x96xi32, #tpu.memory_space<hbm>>
      %dma_start3A_128 = tpu.memref_squeeze %dma_start3A_127 : memref<1x106x96xi32, #tpu.memory_space<hbm>> -> memref<106x96xi32, #tpu.memory_space<hbm>>
      tpu.enqueue_dma source(%dma_start3A_128 : memref<106x96xi32, #tpu.memory_space<hbm>>) target(%arg8 : memref<106x96xi32, #tpu.memory_space<vmem>>) target_semaphore(%run_scoped3A : memref<!tpu.dma_semaphore, #tpu.memory_space<semaphore_mem>>)
      %dma_wait3A_129 = arith.constant 0 : i32
      %dma_wait3A_130 = arith.constant 0 : i32
      %dma_wait3A_131 = tpu.memref_slice %arg4[%add3A, %dma_wait3A_129, %dma_wait3A_130] : memref<32x106x96xi32, #tpu.memory_space<hbm>> -> memref<1x106x96xi32, #tpu.memory_space<hbm>>
      %dma_wait3A_132 = tpu.memref_squeeze %dma_wait3A_131 : memref<1x106x96xi32, #tpu.memory_space<hbm>> -> memref<106x96xi32, #tpu.memory_space<hbm>>
      %dma_wait3A_133 = arith.constant 0 : i32
      %dma_wait3A_134 = arith.constant 0 : i32
      %dma_wait3A_135 = tpu.memref_slice %arg4[%add3A, %dma_wait3A_133, %dma_wait3A_134] : memref<32x106x96xi32, #tpu.memory_space<hbm>> -> memref<1x106x96xi32, #tpu.memory_space<hbm>>
      %dma_wait3A_136 = tpu.memref_squeeze %dma_wait3A_135 : memref<1x106x96xi32, #tpu.memory_space<hbm>> -> memref<106x96xi32, #tpu.memory_space<hbm>>
      tpu.wait_dma2 semaphore(%run_scoped3A : memref<!tpu.dma_semaphore, #tpu.memory_space<semaphore_mem>>) src(%dma_wait3A_136 : memref<106x96xi32, #tpu.memory_space<hbm>>) dst(%arg8 : memref<106x96xi32, #tpu.memory_space<vmem>>)
      tpu.yield
    }) : () -> ()
    %barrier3A = arith.constant 0 : index
    tpu.barrier barrier_id(%barrier3A)
    %dma_start3A = arith.constant 0 : i32
    %dma_start3A_5 = arith.constant 0 : i32
    %dma_start3A_6 = arith.constant 0 : i32
    %dma_start3A_7 = tpu.memref_slice %arg9[%dma_start3A, %dma_start3A_5, %dma_start3A_6] : memref<2x96x128xf32, #tpu.memory_space<vmem>> -> memref<1x96x128xf32, #tpu.memory_space<vmem>>
    %dma_start3A_8 = tpu.memref_squeeze %dma_start3A_7 : memref<1x96x128xf32, #tpu.memory_space<vmem>> -> memref<96x128xf32, #tpu.memory_space<vmem>>
    %dma_start3A_9 = arith.constant 0 : i32
    %dma_start3A_10 = tpu.memref_slice %arg7[%dma_start3A_9] : memref<10176xi32, #tpu.memory_space<vmem>> -> memref<96xi32, #tpu.memory_space<vmem>>
    %dma_start3A_11 = arith.constant 0 : i32
    %dma_start3A_12 = arith.constant 0 : i32
    %dma_start3A_13 = tpu.memref_slice %arg2[%dma_start3A_11, %dma_start3A_12] : memref<10240x128xf32, #tpu.memory_space<hbm>> -> memref<10240x128xf32, #tpu.memory_space<hbm>>
    tpu.enqueue_indirect_dma source(%dma_start3A_13 : memref<10240x128xf32, #tpu.memory_space<hbm>>) target(%dma_start3A_8 : memref<96x128xf32, #tpu.memory_space<vmem>>) offsets(%dma_start3A_10 : memref<96xi32, #tpu.memory_space<vmem>>) semaphore(%arg11 : memref<!tpu.dma_semaphore, #tpu.memory_space<semaphore_mem>>)
    %dma_wait3A = arith.constant 0 : i32
    %dma_wait3A_14 = arith.constant 0 : i32
    %dma_wait3A_15 = arith.constant 0 : i32
    %dma_wait3A_16 = tpu.memref_slice %arg9[%dma_wait3A, %dma_wait3A_14, %dma_wait3A_15] : memref<2x96x128xf32, #tpu.memory_space<vmem>> -> memref<1x96x128xf32, #tpu.memory_space<vmem>>
    %dma_wait3A_17 = tpu.memref_squeeze %dma_wait3A_16 : memref<1x96x128xf32, #tpu.memory_space<vmem>> -> memref<96x128xf32, #tpu.memory_space<vmem>>
    %dma_wait3A_18 = arith.constant 0 : i32
    %dma_wait3A_19 = tpu.memref_slice %arg7[%dma_wait3A_18] : memref<10176xi32, #tpu.memory_space<vmem>> -> memref<96xi32, #tpu.memory_space<vmem>>
    %dma_wait3A_20 = arith.constant 0 : i32
    %dma_wait3A_21 = arith.constant 0 : i32
    %dma_wait3A_22 = tpu.memref_slice %arg2[%dma_wait3A_20, %dma_wait3A_21] : memref<10240x128xf32, #tpu.memory_space<hbm>> -> memref<10240x128xf32, #tpu.memory_space<hbm>>
    tpu.wait_indirect_dma semaphore(%arg11 : memref<!tpu.dma_semaphore, #tpu.memory_space<semaphore_mem>>) src(%dma_wait3A_22 : memref<10240x128xf32, #tpu.memory_space<hbm>>) dst(%dma_wait3A_17 : memref<96x128xf32, #tpu.memory_space<vmem>>)
    %dma_start3A_23 = arith.constant 0 : i32
    %dma_start3A_24 = arith.constant 0 : i32
    %dma_start3A_25 = arith.constant 0 : i32
    %dma_start3A_26 = arith.constant 0 : i32
    %dma_start3A_27 = tpu.memref_slice %arg9[%dma_start3A_23, %dma_start3A_25, %dma_start3A_26] : memref<2x96x128xf32, #tpu.memory_space<vmem>> -> memref<1x96x128xf32, #tpu.memory_space<vmem>>
    %dma_start3A_28 = tpu.memref_squeeze %dma_start3A_27 : memref<1x96x128xf32, #tpu.memory_space<vmem>> -> memref<96x128xf32, #tpu.memory_space<vmem>>
    %dma_start3A_29 = arith.constant 0 : i32
    %dma_start3A_30 = tpu.memref_slice %arg8[%dma_start3A_24, %dma_start3A_29] : memref<106x96xi32, #tpu.memory_space<vmem>> -> memref<1x96xi32, #tpu.memory_space<vmem>>
    %dma_start3A_31 = tpu.memref_squeeze %dma_start3A_30 : memref<1x96xi32, #tpu.memory_space<vmem>> -> memref<96xi32, #tpu.memory_space<vmem>>
    %dma_start3A_32 = arith.constant 0 : i32
    %dma_start3A_33 = arith.constant 0 : i32
    %dma_start3A_34 = tpu.memref_slice %arg10[%dma_start3A_32, %dma_start3A_33] : memref<10240x128xf32, #tpu.memory_space<vmem_shared>> -> memref<10240x128xf32, #tpu.memory_space<vmem_shared>>
    tpu.enqueue_indirect_dma source(%dma_start3A_28 : memref<96x128xf32, #tpu.memory_space<vmem>>) target(%dma_start3A_34 : memref<10240x128xf32, #tpu.memory_space<vmem_shared>>) offsets(%dma_start3A_31 : memref<96xi32, #tpu.memory_space<vmem>>) semaphore(%arg13 : memref<!tpu.dma_semaphore, #tpu.memory_space<semaphore_mem>>) {add = true}
    %dma_start3A_35 = arith.constant 1 : i32
    %dma_start3A_36 = arith.constant 0 : i32
    %dma_start3A_37 = arith.constant 0 : i32
    %dma_start3A_38 = tpu.memref_slice %arg9[%dma_start3A_35, %dma_start3A_36, %dma_start3A_37] : memref<2x96x128xf32, #tpu.memory_space<vmem>> -> memref<1x96x128xf32, #tpu.memory_space<vmem>>
    %dma_start3A_39 = tpu.memref_squeeze %dma_start3A_38 : memref<1x96x128xf32, #tpu.memory_space<vmem>> -> memref<96x128xf32, #tpu.memory_space<vmem>>
    %dma_start3A_40 = arith.constant 96 : i32
    %dma_start3A_41 = tpu.memref_slice %arg7[%dma_start3A_40] : memref<10176xi32, #tpu.memory_space<vmem>> -> memref<96xi32, #tpu.memory_space<vmem>>
    %dma_start3A_42 = arith.constant 0 : i32
    %dma_start3A_43 = arith.constant 0 : i32
    %dma_start3A_44 = tpu.memref_slice %arg2[%dma_start3A_42, %dma_start3A_43] : memref<10240x128xf32, #tpu.memory_space<hbm>> -> memref<10240x128xf32, #tpu.memory_space<hbm>>
    tpu.enqueue_indirect_dma source(%dma_start3A_44 : memref<10240x128xf32, #tpu.memory_space<hbm>>) target(%dma_start3A_39 : memref<96x128xf32, #tpu.memory_space<vmem>>) offsets(%dma_start3A_41 : memref<96xi32, #tpu.memory_space<vmem>>) semaphore(%arg12 : memref<!tpu.dma_semaphore, #tpu.memory_space<semaphore_mem>>)
    %dma_wait3A_45 = arith.constant 1 : i32
    %dma_wait3A_46 = arith.constant 0 : i32
    %dma_wait3A_47 = arith.constant 0 : i32
    %dma_wait3A_48 = tpu.memref_slice %arg9[%dma_wait3A_45, %dma_wait3A_46, %dma_wait3A_47] : memref<2x96x128xf32, #tpu.memory_space<vmem>> -> memref<1x96x128xf32, #tpu.memory_space<vmem>>
    %dma_wait3A_49 = tpu.memref_squeeze %dma_wait3A_48 : memref<1x96x128xf32, #tpu.memory_space<vmem>> -> memref<96x128xf32, #tpu.memory_space<vmem>>
    %dma_wait3A_50 = arith.constant 0 : i32
    %dma_wait3A_51 = tpu.memref_slice %arg7[%dma_wait3A_50] : memref<10176xi32, #tpu.memory_space<vmem>> -> memref<96xi32, #tpu.memory_space<vmem>>
    %dma_wait3A_52 = arith.constant 0 : i32
    %dma_wait3A_53 = arith.constant 0 : i32
    %dma_wait3A_54 = tpu.memref_slice %arg2[%dma_wait3A_52, %dma_wait3A_53] : memref<10240x128xf32, #tpu.memory_space<hbm>> -> memref<10240x128xf32, #tpu.memory_space<hbm>>
    tpu.wait_indirect_dma semaphore(%arg12 : memref<!tpu.dma_semaphore, #tpu.memory_space<semaphore_mem>>) src(%dma_wait3A_54 : memref<10240x128xf32, #tpu.memory_space<hbm>>) dst(%dma_wait3A_49 : memref<96x128xf32, #tpu.memory_space<vmem>>)
    %dma_start3A_55 = arith.constant 1 : i32
    %dma_start3A_56 = arith.constant 1 : i32
    %dma_start3A_57 = arith.constant 0 : i32
    %dma_start3A_58 = arith.constant 0 : i32
    %dma_start3A_59 = tpu.memref_slice %arg9[%dma_start3A_55, %dma_start3A_57, %dma_start3A_58] : memref<2x96x128xf32, #tpu.memory_space<vmem>> -> memref<1x96x128xf32, #tpu.memory_space<vmem>>
    %dma_start3A_60 = tpu.memref_squeeze %dma_start3A_59 : memref<1x96x128xf32, #tpu.memory_space<vmem>> -> memref<96x128xf32, #tpu.memory_space<vmem>>
    %dma_start3A_61 = arith.constant 0 : i32
    %dma_start3A_62 = tpu.memref_slice %arg8[%dma_start3A_56, %dma_start3A_61] : memref<106x96xi32, #tpu.memory_space<vmem>> -> memref<1x96xi32, #tpu.memory_space<vmem>>
    %dma_start3A_63 = tpu.memref_squeeze %dma_start3A_62 : memref<1x96xi32, #tpu.memory_space<vmem>> -> memref<96xi32, #tpu.memory_space<vmem>>
    %dma_start3A_64 = arith.constant 0 : i32
    %dma_start3A_65 = arith.constant 0 : i32
    %dma_start3A_66 = tpu.memref_slice %arg10[%dma_start3A_64, %dma_start3A_65] : memref<10240x128xf32, #tpu.memory_space<vmem_shared>> -> memref<10240x128xf32, #tpu.memory_space<vmem_shared>>
    tpu.enqueue_indirect_dma source(%dma_start3A_60 : memref<96x128xf32, #tpu.memory_space<vmem>>) target(%dma_start3A_66 : memref<10240x128xf32, #tpu.memory_space<vmem_shared>>) offsets(%dma_start3A_63 : memref<96xi32, #tpu.memory_space<vmem>>) semaphore(%arg14 : memref<!tpu.dma_semaphore, #tpu.memory_space<semaphore_mem>>) {add = true}
    %dma_wait3A_67 = arith.constant 0 : i32
    %dma_wait3A_68 = arith.constant 0 : i32
    %dma_wait3A_69 = arith.constant 0 : i32
    %dma_wait3A_70 = arith.constant 0 : i32
    %dma_wait3A_71 = tpu.memref_slice %arg9[%dma_wait3A_67, %dma_wait3A_69, %dma_wait3A_70] : memref<2x96x128xf32, #tpu.memory_space<vmem>> -> memref<1x96x128xf32, #tpu.memory_space<vmem>>
    %dma_wait3A_72 = tpu.memref_squeeze %dma_wait3A_71 : memref<1x96x128xf32, #tpu.memory_space<vmem>> -> memref<96x128xf32, #tpu.memory_space<vmem>>
    %dma_wait3A_73 = arith.constant 0 : i32
    %dma_wait3A_74 = tpu.memref_slice %arg8[%dma_wait3A_68, %dma_wait3A_73] : memref<106x96xi32, #tpu.memory_space<vmem>> -> memref<1x96xi32, #tpu.memory_space<vmem>>
    %dma_wait3A_75 = tpu.memref_squeeze %dma_wait3A_74 : memref<1x96xi32, #tpu.memory_space<vmem>> -> memref<96xi32, #tpu.memory_space<vmem>>
    %dma_wait3A_76 = arith.constant 0 : i32
    %dma_wait3A_77 = arith.constant 0 : i32
    %dma_wait3A_78 = tpu.memref_slice %arg10[%dma_wait3A_76, %dma_wait3A_77] : memref<10240x128xf32, #tpu.memory_space<vmem_shared>> -> memref<10240x128xf32, #tpu.memory_space<vmem_shared>>
    tpu.wait_indirect_dma semaphore(%arg13 : memref<!tpu.dma_semaphore, #tpu.memory_space<semaphore_mem>>) src(%dma_wait3A_72 : memref<96x128xf32, #tpu.memory_space<vmem>>) dst(%dma_wait3A_78 : memref<10240x128xf32, #tpu.memory_space<vmem_shared>>)
    %dma_start3A_79 = arith.constant 0 : i32
    %dma_start3A_80 = arith.constant 0 : i32
    %dma_start3A_81 = arith.constant 0 : i32
    %dma_start3A_82 = tpu.memref_slice %arg9[%dma_start3A_79, %dma_start3A_80, %dma_start3A_81] : memref<2x96x128xf32, #tpu.memory_space<vmem>> -> memref<1x96x128xf32, #tpu.memory_space<vmem>>
    %dma_start3A_83 = tpu.memref_squeeze %dma_start3A_82 : memref<1x96x128xf32, #tpu.memory_space<vmem>> -> memref<96x128xf32, #tpu.memory_space<vmem>>
    %dma_start3A_84 = arith.constant 192 : i32
    %dma_start3A_85 = tpu.memref_slice %arg7[%dma_start3A_84] : memref<10176xi32, #tpu.memory_space<vmem>> -> memref<96xi32, #tpu.memory_space<vmem>>
    %dma_start3A_86 = arith.constant 0 : i32
    %dma_start3A_87 = arith.constant 0 : i32
    %dma_start3A_88 = tpu.memref_slice %arg2[%dma_start3A_86, %dma_start3A_87] : memref<10240x128xf32, #tpu.memory_space<hbm>> -> memref<10240x128xf32, #tpu.memory_space<hbm>>
    tpu.enqueue_indirect_dma source(%dma_start3A_88 : memref<10240x128xf32, #tpu.memory_space<hbm>>) target(%dma_start3A_83 : memref<96x128xf32, #tpu.memory_space<vmem>>) offsets(%dma_start3A_85 : memref<96xi32, #tpu.memory_space<vmem>>) semaphore(%arg11 : memref<!tpu.dma_semaphore, #tpu.memory_space<semaphore_mem>>)
    %scan3A = arith.constant 0 : i32
    %scan3A_89 = arith.constant 1 : i32
    %scan3A_90 = arith.constant 52 : i32
    %scan3A_91 = arith.addi %scan3A_89, %scan3A_90 : i32
    %scan3A_92 = arith.constant 1 : i32
    scf.for %scan3A_121 = %scan3A_89 to %scan3A_91 step %scan3A_92  : i32 {
      %mul3A_122 = arith.constant 2 : i32
      %mul3A_123 = arith.muli %mul3A_122, %scan3A_121 : i32
      %dma_wait3A_124 = arith.constant 0 : i32
      %dma_wait3A_125 = arith.constant 0 : i32
      %dma_wait3A_126 = arith.constant 0 : i32
      %dma_wait3A_127 = tpu.memref_slice %arg9[%dma_wait3A_124, %dma_wait3A_125, %dma_wait3A_126] : memref<2x96x128xf32, #tpu.memory_space<vmem>> -> memref<1x96x128xf32, #tpu.memory_space<vmem>>
      %dma_wait3A_128 = tpu.memref_squeeze %dma_wait3A_127 : memref<1x96x128xf32, #tpu.memory_space<vmem>> -> memref<96x128xf32, #tpu.memory_space<vmem>>
      %dma_wait3A_129 = arith.constant 0 : i32
      %dma_wait3A_130 = tpu.memref_slice %arg7[%dma_wait3A_129] : memref<10176xi32, #tpu.memory_space<vmem>> -> memref<96xi32, #tpu.memory_space<vmem>>
      %dma_wait3A_131 = arith.constant 0 : i32
      %dma_wait3A_132 = arith.constant 0 : i32
      %dma_wait3A_133 = tpu.memref_slice %arg2[%dma_wait3A_131, %dma_wait3A_132] : memref<10240x128xf32, #tpu.memory_space<hbm>> -> memref<10240x128xf32, #tpu.memory_space<hbm>>
      tpu.wait_indirect_dma semaphore(%arg11 : memref<!tpu.dma_semaphore, #tpu.memory_space<semaphore_mem>>) src(%dma_wait3A_133 : memref<10240x128xf32, #tpu.memory_space<hbm>>) dst(%dma_wait3A_128 : memref<96x128xf32, #tpu.memory_space<vmem>>)
      %dma_start3A_134 = arith.constant 0 : i32
      %dma_start3A_135 = arith.constant 0 : i32
      %dma_start3A_136 = arith.constant 0 : i32
      %dma_start3A_137 = tpu.memref_slice %arg9[%dma_start3A_134, %dma_start3A_135, %dma_start3A_136] : memref<2x96x128xf32, #tpu.memory_space<vmem>> -> memref<1x96x128xf32, #tpu.memory_space<vmem>>
      %dma_start3A_138 = tpu.memref_squeeze %dma_start3A_137 : memref<1x96x128xf32, #tpu.memory_space<vmem>> -> memref<96x128xf32, #tpu.memory_space<vmem>>
      %dma_start3A_139 = arith.constant 0 : i32
      %dma_start3A_140 = tpu.memref_slice %arg8[%mul3A_123, %dma_start3A_139] : memref<106x96xi32, #tpu.memory_space<vmem>> -> memref<1x96xi32, #tpu.memory_space<vmem>>
      %dma_start3A_141 = tpu.memref_squeeze %dma_start3A_140 : memref<1x96xi32, #tpu.memory_space<vmem>> -> memref<96xi32, #tpu.memory_space<vmem>>
      %dma_start3A_142 = arith.constant 0 : i32
      %dma_start3A_143 = arith.constant 0 : i32
      %dma_start3A_144 = tpu.memref_slice %arg10[%dma_start3A_142, %dma_start3A_143] : memref<10240x128xf32, #tpu.memory_space<vmem_shared>> -> memref<10240x128xf32, #tpu.memory_space<vmem_shared>>
      tpu.enqueue_indirect_dma source(%dma_start3A_138 : memref<96x128xf32, #tpu.memory_space<vmem>>) target(%dma_start3A_144 : memref<10240x128xf32, #tpu.memory_space<vmem_shared>>) offsets(%dma_start3A_141 : memref<96xi32, #tpu.memory_space<vmem>>) semaphore(%arg13 : memref<!tpu.dma_semaphore, #tpu.memory_space<semaphore_mem>>) {add = true}
      %dma_wait3A_145 = arith.constant 1 : i32
      %dma_wait3A_146 = arith.constant 0 : i32
      %dma_wait3A_147 = arith.constant 0 : i32
      %dma_wait3A_148 = arith.constant 0 : i32
      %dma_wait3A_149 = tpu.memref_slice %arg9[%dma_wait3A_145, %dma_wait3A_147, %dma_wait3A_148] : memref<2x96x128xf32, #tpu.memory_space<vmem>> -> memref<1x96x128xf32, #tpu.memory_space<vmem>>
      %dma_wait3A_150 = tpu.memref_squeeze %dma_wait3A_149 : memref<1x96x128xf32, #tpu.memory_space<vmem>> -> memref<96x128xf32, #tpu.memory_space<vmem>>
      %dma_wait3A_151 = arith.constant 0 : i32
      %dma_wait3A_152 = tpu.memref_slice %arg8[%dma_wait3A_146, %dma_wait3A_151] : memref<106x96xi32, #tpu.memory_space<vmem>> -> memref<1x96xi32, #tpu.memory_space<vmem>>
      %dma_wait3A_153 = tpu.memref_squeeze %dma_wait3A_152 : memref<1x96xi32, #tpu.memory_space<vmem>> -> memref<96xi32, #tpu.memory_space<vmem>>
      %dma_wait3A_154 = arith.constant 0 : i32
      %dma_wait3A_155 = arith.constant 0 : i32
      %dma_wait3A_156 = tpu.memref_slice %arg10[%dma_wait3A_154, %dma_wait3A_155] : memref<10240x128xf32, #tpu.memory_space<vmem_shared>> -> memref<10240x128xf32, #tpu.memory_space<vmem_shared>>
      tpu.wait_indirect_dma semaphore(%arg14 : memref<!tpu.dma_semaphore, #tpu.memory_space<semaphore_mem>>) src(%dma_wait3A_150 : memref<96x128xf32, #tpu.memory_space<vmem>>) dst(%dma_wait3A_156 : memref<10240x128xf32, #tpu.memory_space<vmem_shared>>)
      %add3A_157 = arith.constant 1 : i32
      %add3A_158 = arith.addi %mul3A_123, %add3A_157 : i32
      %mul3A_159 = arith.constant 96 : i32
      %mul3A_160 = arith.muli %add3A_158, %mul3A_159 : i32
      %dma_start3A_161 = arith.constant 1 : i32
      %dma_start3A_162 = arith.constant 0 : i32
      %dma_start3A_163 = arith.constant 0 : i32
      %dma_start3A_164 = tpu.memref_slice %arg9[%dma_start3A_161, %dma_start3A_162, %dma_start3A_163] : memref<2x96x128xf32, #tpu.memory_space<vmem>> -> memref<1x96x128xf32, #tpu.memory_space<vmem>>
      %dma_start3A_165 = tpu.memref_squeeze %dma_start3A_164 : memref<1x96x128xf32, #tpu.memory_space<vmem>> -> memref<96x128xf32, #tpu.memory_space<vmem>>
      %dma_start3A_166 = tpu.memref_slice %arg7[%mul3A_160] : memref<10176xi32, #tpu.memory_space<vmem>> -> memref<96xi32, #tpu.memory_space<vmem>>
      %dma_start3A_167 = arith.constant 0 : i32
      %dma_start3A_168 = arith.constant 0 : i32
      %dma_start3A_169 = tpu.memref_slice %arg2[%dma_start3A_167, %dma_start3A_168] : memref<10240x128xf32, #tpu.memory_space<hbm>> -> memref<10240x128xf32, #tpu.memory_space<hbm>>
      tpu.enqueue_indirect_dma source(%dma_start3A_169 : memref<10240x128xf32, #tpu.memory_space<hbm>>) target(%dma_start3A_165 : memref<96x128xf32, #tpu.memory_space<vmem>>) offsets(%dma_start3A_166 : memref<96xi32, #tpu.memory_space<vmem>>) semaphore(%arg12 : memref<!tpu.dma_semaphore, #tpu.memory_space<semaphore_mem>>)
      %dma_wait3A_170 = arith.constant 1 : i32
      %dma_wait3A_171 = arith.constant 0 : i32
      %dma_wait3A_172 = arith.constant 0 : i32
      %dma_wait3A_173 = tpu.memref_slice %arg9[%dma_wait3A_170, %dma_wait3A_171, %dma_wait3A_172] : memref<2x96x128xf32, #tpu.memory_space<vmem>> -> memref<1x96x128xf32, #tpu.memory_space<vmem>>
      %dma_wait3A_174 = tpu.memref_squeeze %dma_wait3A_173 : memref<1x96x128xf32, #tpu.memory_space<vmem>> -> memref<96x128xf32, #tpu.memory_space<vmem>>
      %dma_wait3A_175 = arith.constant 0 : i32
      %dma_wait3A_176 = tpu.memref_slice %arg7[%dma_wait3A_175] : memref<10176xi32, #tpu.memory_space<vmem>> -> memref<96xi32, #tpu.memory_space<vmem>>
      %dma_wait3A_177 = arith.constant 0 : i32
      %dma_wait3A_178 = arith.constant 0 : i32
      %dma_wait3A_179 = tpu.memref_slice %arg2[%dma_wait3A_177, %dma_wait3A_178] : memref<10240x128xf32, #tpu.memory_space<hbm>> -> memref<10240x128xf32, #tpu.memory_space<hbm>>
      tpu.wait_indirect_dma semaphore(%arg12 : memref<!tpu.dma_semaphore, #tpu.memory_space<semaphore_mem>>) src(%dma_wait3A_179 : memref<10240x128xf32, #tpu.memory_space<hbm>>) dst(%dma_wait3A_174 : memref<96x128xf32, #tpu.memory_space<vmem>>)
      %add3A_180 = arith.constant 1 : i32
      %add3A_181 = arith.addi %mul3A_123, %add3A_180 : i32
      %dma_start3A_182 = arith.constant 1 : i32
      %dma_start3A_183 = arith.constant 0 : i32
      %dma_start3A_184 = arith.constant 0 : i32
      %dma_start3A_185 = tpu.memref_slice %arg9[%dma_start3A_182, %dma_start3A_183, %dma_start3A_184] : memref<2x96x128xf32, #tpu.memory_space<vmem>> -> memref<1x96x128xf32, #tpu.memory_space<vmem>>
      %dma_start3A_186 = tpu.memref_squeeze %dma_start3A_185 : memref<1x96x128xf32, #tpu.memory_space<vmem>> -> memref<96x128xf32, #tpu.memory_space<vmem>>
      %dma_start3A_187 = arith.constant 0 : i32
      %dma_start3A_188 = tpu.memref_slice %arg8[%add3A_181, %dma_start3A_187] : memref<106x96xi32, #tpu.memory_space<vmem>> -> memref<1x96xi32, #tpu.memory_space<vmem>>
      %dma_start3A_189 = tpu.memref_squeeze %dma_start3A_188 : memref<1x96xi32, #tpu.memory_space<vmem>> -> memref<96xi32, #tpu.memory_space<vmem>>
      %dma_start3A_190 = arith.constant 0 : i32
      %dma_start3A_191 = arith.constant 0 : i32
      %dma_start3A_192 = tpu.memref_slice %arg10[%dma_start3A_190, %dma_start3A_191] : memref<10240x128xf32, #tpu.memory_space<vmem_shared>> -> memref<10240x128xf32, #tpu.memory_space<vmem_shared>>
      tpu.enqueue_indirect_dma source(%dma_start3A_186 : memref<96x128xf32, #tpu.memory_space<vmem>>) target(%dma_start3A_192 : memref<10240x128xf32, #tpu.memory_space<vmem_shared>>) offsets(%dma_start3A_189 : memref<96xi32, #tpu.memory_space<vmem>>) semaphore(%arg14 : memref<!tpu.dma_semaphore, #tpu.memory_space<semaphore_mem>>) {add = true}
      %dma_wait3A_193 = arith.constant 0 : i32
      %dma_wait3A_194 = arith.constant 0 : i32
      %dma_wait3A_195 = arith.constant 0 : i32
      %dma_wait3A_196 = arith.constant 0 : i32
      %dma_wait3A_197 = tpu.memref_slice %arg9[%dma_wait3A_193, %dma_wait3A_195, %dma_wait3A_196] : memref<2x96x128xf32, #tpu.memory_space<vmem>> -> memref<1x96x128xf32, #tpu.memory_space<vmem>>
      %dma_wait3A_198 = tpu.memref_squeeze %dma_wait3A_197 : memref<1x96x128xf32, #tpu.memory_space<vmem>> -> memref<96x128xf32, #tpu.memory_space<vmem>>
      %dma_wait3A_199 = arith.constant 0 : i32
      %dma_wait3A_200 = tpu.memref_slice %arg8[%dma_wait3A_194, %dma_wait3A_199] : memref<106x96xi32, #tpu.memory_space<vmem>> -> memref<1x96xi32, #tpu.memory_space<vmem>>
      %dma_wait3A_201 = tpu.memref_squeeze %dma_wait3A_200 : memref<1x96xi32, #tpu.memory_space<vmem>> -> memref<96xi32, #tpu.memory_space<vmem>>
      %dma_wait3A_202 = arith.constant 0 : i32
      %dma_wait3A_203 = arith.constant 0 : i32
      %dma_wait3A_204 = tpu.memref_slice %arg10[%dma_wait3A_202, %dma_wait3A_203] : memref<10240x128xf32, #tpu.memory_space<vmem_shared>> -> memref<10240x128xf32, #tpu.memory_space<vmem_shared>>
      tpu.wait_indirect_dma semaphore(%arg13 : memref<!tpu.dma_semaphore, #tpu.memory_space<semaphore_mem>>) src(%dma_wait3A_198 : memref<96x128xf32, #tpu.memory_space<vmem>>) dst(%dma_wait3A_204 : memref<10240x128xf32, #tpu.memory_space<vmem_shared>>)
      %add3A_205 = arith.constant 2 : i32
      %add3A_206 = arith.addi %mul3A_123, %add3A_205 : i32
      %min3A = arith.constant 105 : i32
      %min3A_207 = arith.minsi %add3A_206, %min3A : i32
      %mul3A_208 = arith.constant 96 : i32
      %mul3A_209 = arith.muli %min3A_207, %mul3A_208 : i32
      %dma_start3A_210 = arith.constant 0 : i32
      %dma_start3A_211 = arith.constant 0 : i32
      %dma_start3A_212 = arith.constant 0 : i32
      %dma_start3A_213 = tpu.memref_slice %arg9[%dma_start3A_210, %dma_start3A_211, %dma_start3A_212] : memref<2x96x128xf32, #tpu.memory_space<vmem>> -> memref<1x96x128xf32, #tpu.memory_space<vmem>>
      %dma_start3A_214 = tpu.memref_squeeze %dma_start3A_213 : memref<1x96x128xf32, #tpu.memory_space<vmem>> -> memref<96x128xf32, #tpu.memory_space<vmem>>
      %dma_start3A_215 = tpu.memref_slice %arg7[%mul3A_209] : memref<10176xi32, #tpu.memory_space<vmem>> -> memref<96xi32, #tpu.memory_space<vmem>>
      %dma_start3A_216 = arith.constant 0 : i32
      %dma_start3A_217 = arith.constant 0 : i32
      %dma_start3A_218 = tpu.memref_slice %arg2[%dma_start3A_216, %dma_start3A_217] : memref<10240x128xf32, #tpu.memory_space<hbm>> -> memref<10240x128xf32, #tpu.memory_space<hbm>>
      tpu.enqueue_indirect_dma source(%dma_start3A_218 : memref<10240x128xf32, #tpu.memory_space<hbm>>) target(%dma_start3A_214 : memref<96x128xf32, #tpu.memory_space<vmem>>) offsets(%dma_start3A_215 : memref<96xi32, #tpu.memory_space<vmem>>) semaphore(%arg11 : memref<!tpu.dma_semaphore, #tpu.memory_space<semaphore_mem>>)
    }
    %scan3A_93 = arith.constant 52 : i32
    %dma_wait3A_94 = arith.constant 0 : i32
    %dma_wait3A_95 = arith.constant 0 : i32
    %dma_wait3A_96 = arith.constant 0 : i32
    %dma_wait3A_97 = tpu.memref_slice %arg9[%dma_wait3A_94, %dma_wait3A_95, %dma_wait3A_96] : memref<2x96x128xf32, #tpu.memory_space<vmem>> -> memref<1x96x128xf32, #tpu.memory_space<vmem>>
    %dma_wait3A_98 = tpu.memref_squeeze %dma_wait3A_97 : memref<1x96x128xf32, #tpu.memory_space<vmem>> -> memref<96x128xf32, #tpu.memory_space<vmem>>
    %dma_wait3A_99 = arith.constant 0 : i32
    %dma_wait3A_100 = tpu.memref_slice %arg7[%dma_wait3A_99] : memref<10176xi32, #tpu.memory_space<vmem>> -> memref<96xi32, #tpu.memory_space<vmem>>
    %dma_wait3A_101 = arith.constant 0 : i32
    %dma_wait3A_102 = arith.constant 0 : i32
    %dma_wait3A_103 = tpu.memref_slice %arg2[%dma_wait3A_101, %dma_wait3A_102] : memref<10240x128xf32, #tpu.memory_space<hbm>> -> memref<10240x128xf32, #tpu.memory_space<hbm>>
    tpu.wait_indirect_dma semaphore(%arg11 : memref<!tpu.dma_semaphore, #tpu.memory_space<semaphore_mem>>) src(%dma_wait3A_103 : memref<10240x128xf32, #tpu.memory_space<hbm>>) dst(%dma_wait3A_98 : memref<96x128xf32, #tpu.memory_space<vmem>>)
    %dma_wait3A_104 = arith.constant 1 : i32
    %dma_wait3A_105 = arith.constant 0 : i32
    %dma_wait3A_106 = arith.constant 0 : i32
    %dma_wait3A_107 = arith.constant 0 : i32
    %dma_wait3A_108 = tpu.memref_slice %arg9[%dma_wait3A_104, %dma_wait3A_106, %dma_wait3A_107] : memref<2x96x128xf32, #tpu.memory_space<vmem>> -> memref<1x96x128xf32, #tpu.memory_space<vmem>>
    %dma_wait3A_109 = tpu.memref_squeeze %dma_wait3A_108 : memref<1x96x128xf32, #tpu.memory_space<vmem>> -> memref<96x128xf32, #tpu.memory_space<vmem>>
    %dma_wait3A_110 = arith.constant 0 : i32
    %dma_wait3A_111 = tpu.memref_slice %arg8[%dma_wait3A_105, %dma_wait3A_110] : memref<106x96xi32, #tpu.memory_space<vmem>> -> memref<1x96xi32, #tpu.memory_space<vmem>>
    %dma_wait3A_112 = tpu.memref_squeeze %dma_wait3A_111 : memref<1x96xi32, #tpu.memory_space<vmem>> -> memref<96xi32, #tpu.memory_space<vmem>>
    %dma_wait3A_113 = arith.constant 0 : i32
    %dma_wait3A_114 = arith.constant 0 : i32
    %dma_wait3A_115 = tpu.memref_slice %arg10[%dma_wait3A_113, %dma_wait3A_114] : memref<10240x128xf32, #tpu.memory_space<vmem_shared>> -> memref<10240x128xf32, #tpu.memory_space<vmem_shared>>
    tpu.wait_indirect_dma semaphore(%arg14 : memref<!tpu.dma_semaphore, #tpu.memory_space<semaphore_mem>>) src(%dma_wait3A_109 : memref<96x128xf32, #tpu.memory_space<vmem>>) dst(%dma_wait3A_115 : memref<10240x128xf32, #tpu.memory_space<vmem_shared>>)
    %barrier3A_116 = arith.constant 0 : index
    tpu.barrier barrier_id(%barrier3A_116)
    %mul3A_117 = arith.constant 640 : i32
    %mul3A_118 = arith.muli %arg1, %mul3A_117 : i32
    %mul3A_119 = arith.constant 640 : i32
    %mul3A_120 = arith.muli %arg1, %mul3A_119 : i32
    "tpu.region"() ({
      %run_scoped3A = tpu.sem_alloc : memref<!tpu.dma_semaphore, #tpu.memory_space<semaphore_mem>>
      %dma_start3A_121 = arith.constant 0 : i32
      %dma_start3A_122 = tpu.memref_slice %arg6[%arg0, %mul3A_120, %dma_start3A_121] : memref<2x10240x128xf32, #tpu.memory_space<hbm>> -> memref<1x640x128xf32, #tpu.memory_space<hbm>>
      %dma_start3A_123 = tpu.memref_squeeze %dma_start3A_122 : memref<1x640x128xf32, #tpu.memory_space<hbm>> -> memref<640x128xf32, #tpu.memory_space<hbm>>
      %dma_start3A_124 = arith.constant 0 : i32
      %dma_start3A_125 = tpu.memref_slice %arg10[%mul3A_118, %dma_start3A_124] : memref<10240x128xf32, #tpu.memory_space<vmem_shared>> -> memref<640x128xf32, #tpu.memory_space<vmem_shared>>
      tpu.enqueue_dma source(%dma_start3A_125 : memref<640x128xf32, #tpu.memory_space<vmem_shared>>) target(%dma_start3A_123 : memref<640x128xf32, #tpu.memory_space<hbm>>) target_semaphore(%run_scoped3A : memref<!tpu.dma_semaphore, #tpu.memory_space<semaphore_mem>>)
      %dma_wait3A_126 = arith.constant 0 : i32
      %dma_wait3A_127 = tpu.memref_slice %arg6[%arg0, %mul3A_120, %dma_wait3A_126] : memref<2x10240x128xf32, #tpu.memory_space<hbm>> -> memref<1x640x128xf32, #tpu.memory_space<hbm>>
      %dma_wait3A_128 = tpu.memref_squeeze %dma_wait3A_127 : memref<1x640x128xf32, #tpu.memory_space<hbm>> -> memref<640x128xf32, #tpu.memory_space<hbm>>
      %dma_wait3A_129 = arith.constant 0 : i32
      %dma_wait3A_130 = tpu.memref_slice %arg10[%mul3A_118, %dma_wait3A_129] : memref<10240x128xf32, #tpu.memory_space<vmem_shared>> -> memref<640x128xf32, #tpu.memory_space<vmem_shared>>
      tpu.wait_dma2 semaphore(%run_scoped3A : memref<!tpu.dma_semaphore, #tpu.memory_space<semaphore_mem>>) src(%dma_wait3A_130 : memref<640x128xf32, #tpu.memory_space<vmem_shared>>) dst(%dma_wait3A_128 : memref<640x128xf32, #tpu.memory_space<hbm>>)
      tpu.yield
    }) : () -> ()
    return
  }
}

module attributes {stable_mosaic.version = 14 : i64} {
  func.func @body(%arg0: i32, %arg1: memref<512x128xf32, #tpu.memory_space<vmem>>, %arg2: memref<128x128xf32, #tpu.memory_space<vmem>>, %arg3: memref<512x1xf32, #tpu.memory_space<vmem>>, %arg4: memref<512x128xf32, #tpu.memory_space<vmem>>) attributes {dimension_semantics = [#tpu.dimension_semantics<arbitrary>], iteration_bounds = array<i64: 20>, scalar_prefetch = 0 : i64, scratch_operands = 0 : i64, tpu.core_type = #tpu.core_type<tc>, window_params = [{transform_indices = @transform_0, window_bounds = array<i64: 512, 128>}, {pipeline_mode = #tpu.pipeline_mode<synchronous>, transform_indices = @transform_1, window_bounds = array<i64: 128, 128>}, {transform_indices = @transform_2, window_bounds = array<i64: 512, 1>}, {transform_indices = @transform_3, window_bounds = array<i64: 512, 128>}]} {
    %get3A = arith.constant 0 : index
    %get3A_0 = arith.constant 0 : index
    %get3A_1 = vector.load %arg3[%get3A, %get3A_0] : memref<512x1xf32, #tpu.memory_space<vmem>>, vector<512x1xf32>
    %get3A_2 = arith.constant 0 : index
    %get3A_3 = arith.constant 0 : index
    %get3A_4 = vector.load %arg1[%get3A_2, %get3A_3] : memref<512x128xf32, #tpu.memory_space<vmem>>, vector<512x128xf32>
    %get3A_5 = arith.constant 0 : index
    %get3A_6 = arith.constant 0 : index
    %get3A_7 = vector.load %arg2[%get3A_5, %get3A_6] : memref<128x128xf32, #tpu.memory_space<vmem>>, vector<128x128xf32>
    %dot_general3A = arith.constant dense<0.000000e+00> : vector<512x128xf32>
    %dot_general3A_8 = tpu.matmul %get3A_4, %get3A_7, %dot_general3A {dimension_numbers = #tpu.dot_dimension_numbers<[1], [0], [0], [1], [0, 0, 1, 1], [], []>, transpose_lhs_hint = false} : vector<512x128xf32>, vector<128x128xf32>, vector<512x128xf32> -> vector<512x128xf32>
    %mul3A = vector.broadcast %get3A_1 : vector<512x1xf32> to vector<512x128xf32>
    %mul3A_9 = arith.mulf %mul3A, %dot_general3A_8 : vector<512x128xf32>
    %swap3A = arith.constant 0 : index
    %swap3A_10 = arith.constant 0 : index
    %swap3A_11 = vector.load %arg4[%swap3A, %swap3A_10] : memref<512x128xf32, #tpu.memory_space<vmem>>, vector<512x128xf32>
    tpu.vector_store %arg4[%swap3A, %swap3A_10], %mul3A_9 {strides = array<i32>} : memref<512x128xf32, #tpu.memory_space<vmem>>, vector<512x128xf32>,
    return
  }
  func.func @transform_0(%arg0: i32) -> (i32, i32) {
    %c0_i32 = arith.constant 0 : i32
    %c0_i32_0 = arith.constant 0 : i32
    return %arg0, %c0_i32 : i32, i32
  }
  func.func @transform_1(%arg0: i32) -> (i32, i32) {
    %c0_i32 = arith.constant 0 : i32
    %c0_i32_0 = arith.constant 0 : i32
    %c0_i32_1 = arith.constant 0 : i32
    return %c0_i32, %c0_i32_0 : i32, i32
  }
  func.func @transform_2(%arg0: i32) -> (i32, i32) {
    %c0_i32 = arith.constant 0 : i32
    %c0_i32_0 = arith.constant 0 : i32
    return %arg0, %c0_i32 : i32, i32
  }
  func.func @transform_3(%arg0: i32) -> (i32, i32) {
    %c0_i32 = arith.constant 0 : i32
    %c0_i32_0 = arith.constant 0 : i32
    return %arg0, %c0_i32 : i32, i32
  }
}

module attributes {stable_mosaic.version = 14 : i64} {
  func.func @body(%arg0: i32, %arg1: memref<2x512x128xf32, #tpu.memory_space<vmem>>, %arg2: memref<512x128xf32, #tpu.memory_space<vmem>>, %arg3: memref<512x1xf32, #tpu.memory_space<vmem>>, %arg4: memref<1x128xf32, #tpu.memory_space<vmem>>, %arg5: memref<512x128xf32, #tpu.memory_space<vmem>>) attributes {dimension_semantics = [#tpu.dimension_semantics<arbitrary>], iteration_bounds = array<i64: 20>, scalar_prefetch = 0 : i64, scratch_operands = 0 : i64, tpu.core_type = #tpu.core_type<tc>, window_params = [{transform_indices = @transform_0, window_bounds = array<i64: 2, 512, 128>}, {transform_indices = @transform_1, window_bounds = array<i64: 512, 128>}, {transform_indices = @transform_2, window_bounds = array<i64: 512, 1>}, {pipeline_mode = #tpu.pipeline_mode<synchronous>, transform_indices = @transform_3, window_bounds = array<i64: 1, 128>}, {transform_indices = @transform_4, window_bounds = array<i64: 512, 128>}]} {
    %get3A = arith.constant 0 : index
    %get3A_0 = arith.constant 0 : index
    %get3A_1 = vector.load %arg3[%get3A, %get3A_0] : memref<512x1xf32, #tpu.memory_space<vmem>>, vector<512x1xf32>
    %get3A_2 = arith.constant 0 : index
    %get3A_3 = arith.constant 0 : index
    %get3A_4 = arith.constant 0 : index
    %get3A_5 = vector.load %arg1[%get3A_2, %get3A_3, %get3A_4] : memref<2x512x128xf32, #tpu.memory_space<vmem>>, vector<1x512x128xf32>
    %get3A_6 = vector.shape_cast %get3A_5 : vector<1x512x128xf32> to vector<512x128xf32>
    %get3A_7 = arith.constant 1 : index
    %get3A_8 = arith.constant 0 : index
    %get3A_9 = arith.constant 0 : index
    %get3A_10 = vector.load %arg1[%get3A_7, %get3A_8, %get3A_9] : memref<2x512x128xf32, #tpu.memory_space<vmem>>, vector<1x512x128xf32>
    %get3A_11 = vector.shape_cast %get3A_10 : vector<1x512x128xf32> to vector<512x128xf32>
    %add3A = arith.addf %get3A_6, %get3A_11 : vector<512x128xf32>
    %get3A_12 = arith.constant 0 : index
    %get3A_13 = arith.constant 0 : index
    %get3A_14 = vector.load %arg2[%get3A_12, %get3A_13] : memref<512x128xf32, #tpu.memory_space<vmem>>, vector<512x128xf32>
    %add3A_15 = arith.addf %add3A, %get3A_14 : vector<512x128xf32>
    %mul3A = vector.broadcast %get3A_1 : vector<512x1xf32> to vector<512x128xf32>
    %mul3A_16 = arith.mulf %mul3A, %add3A_15 : vector<512x128xf32>
    %get3A_17 = arith.constant 0 : index
    %get3A_18 = arith.constant 0 : index
    %get3A_19 = vector.load %arg4[%get3A_17, %get3A_18] : memref<1x128xf32, #tpu.memory_space<vmem>>, vector<1x128xf32>
    %add3A_20 = vector.broadcast %get3A_19 : vector<1x128xf32> to vector<512x128xf32>
    %add3A_21 = arith.addf %mul3A_16, %add3A_20 : vector<512x128xf32>
    %swap3A = arith.constant 0 : index
    %swap3A_22 = arith.constant 0 : index
    %swap3A_23 = vector.load %arg5[%swap3A, %swap3A_22] : memref<512x128xf32, #tpu.memory_space<vmem>>, vector<512x128xf32>
    tpu.vector_store %arg5[%swap3A, %swap3A_22], %add3A_21 {strides = array<i32>} : memref<512x128xf32, #tpu.memory_space<vmem>>, vector<512x128xf32>,
    return
  }
  func.func @transform_0(%arg0: i32) -> (i32, i32, i32) {
    %c0_i32 = arith.constant 0 : i32
    %c0_i32_0 = arith.constant 0 : i32
    %c0_i32_1 = arith.constant 0 : i32
    return %c0_i32, %arg0, %c0_i32_0 : i32, i32, i32
  }
  func.func @transform_1(%arg0: i32) -> (i32, i32) {
    %c0_i32 = arith.constant 0 : i32
    %c0_i32_0 = arith.constant 0 : i32
    return %arg0, %c0_i32 : i32, i32
  }
  func.func @transform_2(%arg0: i32) -> (i32, i32) {
    %c0_i32 = arith.constant 0 : i32
    %c0_i32_0 = arith.constant 0 : i32
    return %arg0, %c0_i32 : i32, i32
  }
  func.func @transform_3(%arg0: i32) -> (i32, i32) {
    %c0_i32 = arith.constant 0 : i32
    %c0_i32_0 = arith.constant 0 : i32
    %c0_i32_1 = arith.constant 0 : i32
    return %c0_i32, %c0_i32_0 : i32, i32
  }
  func.func @transform_4(%arg0: i32) -> (i32, i32) {
    %c0_i32 = arith.constant 0 : i32
    %c0_i32_0 = arith.constant 0 : i32
    return %arg0, %c0_i32 : i32, i32
  }
}

module attributes {stable_mosaic.version = 14 : i64} {
  func.func @body(%arg0: i32, %arg1: memref<2x512x128xf32, #tpu.memory_space<vmem>>, %arg2: memref<512x128xf32, #tpu.memory_space<vmem>>, %arg3: memref<512x1xf32, #tpu.memory_space<vmem>>, %arg4: memref<1x128xf32, #tpu.memory_space<vmem>>, %arg5: memref<128x128xf32, #tpu.memory_space<vmem>>, %arg6: memref<512x128xf32, #tpu.memory_space<vmem>>) attributes {dimension_semantics = [#tpu.dimension_semantics<arbitrary>], iteration_bounds = array<i64: 20>, scalar_prefetch = 0 : i64, scratch_operands = 0 : i64, tpu.core_type = #tpu.core_type<tc>, window_params = [{transform_indices = @transform_0, window_bounds = array<i64: 2, 512, 128>}, {transform_indices = @transform_1, window_bounds = array<i64: 512, 128>}, {transform_indices = @transform_2, window_bounds = array<i64: 512, 1>}, {pipeline_mode = #tpu.pipeline_mode<synchronous>, transform_indices = @transform_3, window_bounds = array<i64: 1, 128>}, {pipeline_mode = #tpu.pipeline_mode<synchronous>, transform_indices = @transform_4, window_bounds = array<i64: 128, 128>}, {transform_indices = @transform_5, window_bounds = array<i64: 512, 128>}]} {
    %get3A = arith.constant 0 : index
    %get3A_0 = arith.constant 0 : index
    %get3A_1 = arith.constant 0 : index
    %get3A_2 = vector.load %arg1[%get3A, %get3A_0, %get3A_1] : memref<2x512x128xf32, #tpu.memory_space<vmem>>, vector<1x512x128xf32>
    %get3A_3 = vector.shape_cast %get3A_2 : vector<1x512x128xf32> to vector<512x128xf32>
    %get3A_4 = arith.constant 1 : index
    %get3A_5 = arith.constant 0 : index
    %get3A_6 = arith.constant 0 : index
    %get3A_7 = vector.load %arg1[%get3A_4, %get3A_5, %get3A_6] : memref<2x512x128xf32, #tpu.memory_space<vmem>>, vector<1x512x128xf32>
    %get3A_8 = vector.shape_cast %get3A_7 : vector<1x512x128xf32> to vector<512x128xf32>
    %add3A = arith.addf %get3A_3, %get3A_8 : vector<512x128xf32>
    %get3A_9 = arith.constant 0 : index
    %get3A_10 = arith.constant 0 : index
    %get3A_11 = vector.load %arg2[%get3A_9, %get3A_10] : memref<512x128xf32, #tpu.memory_space<vmem>>, vector<512x128xf32>
    %add3A_12 = arith.addf %add3A, %get3A_11 : vector<512x128xf32>
    %get3A_13 = arith.constant 0 : index
    %get3A_14 = arith.constant 0 : index
    %get3A_15 = vector.load %arg3[%get3A_13, %get3A_14] : memref<512x1xf32, #tpu.memory_space<vmem>>, vector<512x1xf32>
    %mul3A = vector.broadcast %get3A_15 : vector<512x1xf32> to vector<512x128xf32>
    %mul3A_16 = arith.mulf %mul3A, %add3A_12 : vector<512x128xf32>
    %get3A_17 = arith.constant 0 : index
    %get3A_18 = arith.constant 0 : index
    %get3A_19 = vector.load %arg4[%get3A_17, %get3A_18] : memref<1x128xf32, #tpu.memory_space<vmem>>, vector<1x128xf32>
    %add3A_20 = vector.broadcast %get3A_19 : vector<1x128xf32> to vector<512x128xf32>
    %add3A_21 = arith.addf %mul3A_16, %add3A_20 : vector<512x128xf32>
    %max3A = arith.constant 0.000000e+00 : f32
    %max3A_22 = vector.broadcast %max3A : f32 to vector<512x128xf32>
    %max3A_23 = arith.maximumf %add3A_21, %max3A_22 : vector<512x128xf32>
    %mul3A_24 = arith.constant 512 : i32
    %mul3A_25 = arith.muli %arg0, %mul3A_24 : i32
    %iota3A = tpu.iota {dimensions = array<i32: 0>} : vector<512x1xi32>
    %add3A_26 = vector.broadcast %mul3A_25 : i32 to vector<512x1xi32>
    %add3A_27 = arith.addi %add3A_26, %iota3A : vector<512x1xi32>
    %lt3A = arith.constant 10000 : i32
    %lt3A_28 = vector.broadcast %lt3A : i32 to vector<512x1xi32>
    %lt3A_29 = arith.cmpi slt, %add3A_27, %lt3A_28 : vector<512x1xi32>
    %jit3A = arith.constant 0.000000e+00 : f32
    %broadcast_in_dim3A = vector.shape_cast %lt3A_29 : vector<512x1xi1> to vector<512x1xi1>
    %broadcast_in_dim3A_30 = vector.broadcast %broadcast_in_dim3A : vector<512x1xi1> to vector<512x128xi1>
    %broadcast_in_dim3A_31 = vector.broadcast %jit3A : f32 to vector<512x128xf32>
    %select_n3A = arith.select %broadcast_in_dim3A_30, %max3A_23, %broadcast_in_dim3A_31 : vector<512x128xi1>, vector<512x128xf32>
    %get3A_32 = arith.constant 0 : index
    %get3A_33 = arith.constant 0 : index
    %get3A_34 = vector.load %arg3[%get3A_32, %get3A_33] : memref<512x1xf32, #tpu.memory_space<vmem>>, vector<512x1xf32>
    %get3A_35 = arith.constant 0 : index
    %get3A_36 = arith.constant 0 : index
    %get3A_37 = vector.load %arg5[%get3A_35, %get3A_36] : memref<128x128xf32, #tpu.memory_space<vmem>>, vector<128x128xf32>
    %dot_general3A = arith.constant dense<0.000000e+00> : vector<512x128xf32>
    %dot_general3A_38 = tpu.matmul %select_n3A, %get3A_37, %dot_general3A {dimension_numbers = #tpu.dot_dimension_numbers<[1], [0], [0], [1], [0, 0, 1, 1], [], []>, transpose_lhs_hint = false} : vector<512x128xf32>, vector<128x128xf32>, vector<512x128xf32> -> vector<512x128xf32>
    %mul3A_39 = vector.broadcast %get3A_34 : vector<512x1xf32> to vector<512x128xf32>
    %mul3A_40 = arith.mulf %mul3A_39, %dot_general3A_38 : vector<512x128xf32>
    %swap3A = arith.constant 0 : index
    %swap3A_41 = arith.constant 0 : index
    %swap3A_42 = vector.load %arg6[%swap3A, %swap3A_41] : memref<512x128xf32, #tpu.memory_space<vmem>>, vector<512x128xf32>
    tpu.vector_store %arg6[%swap3A, %swap3A_41], %mul3A_40 {strides = array<i32>} : memref<512x128xf32, #tpu.memory_space<vmem>>, vector<512x128xf32>,
    return
  }
  func.func @transform_0(%arg0: i32) -> (i32, i32, i32) {
    %c0_i32 = arith.constant 0 : i32
    %c0_i32_0 = arith.constant 0 : i32
    %c0_i32_1 = arith.constant 0 : i32
    return %c0_i32, %arg0, %c0_i32_0 : i32, i32, i32
  }
  func.func @transform_1(%arg0: i32) -> (i32, i32) {
    %c0_i32 = arith.constant 0 : i32
    %c0_i32_0 = arith.constant 0 : i32
    return %arg0, %c0_i32 : i32, i32
  }
  func.func @transform_2(%arg0: i32) -> (i32, i32) {
    %c0_i32 = arith.constant 0 : i32
    %c0_i32_0 = arith.constant 0 : i32
    return %arg0, %c0_i32 : i32, i32
  }
  func.func @transform_3(%arg0: i32) -> (i32, i32) {
    %c0_i32 = arith.constant 0 : i32
    %c0_i32_0 = arith.constant 0 : i32
    %c0_i32_1 = arith.constant 0 : i32
    return %c0_i32, %c0_i32_0 : i32, i32
  }
  func.func @transform_4(%arg0: i32) -> (i32, i32) {
    %c0_i32 = arith.constant 0 : i32
    %c0_i32_0 = arith.constant 0 : i32
    %c0_i32_1 = arith.constant 0 : i32
    return %c0_i32, %c0_i32_0 : i32, i32
  }
  func.func @transform_5(%arg0: i32) -> (i32, i32) {
    %c0_i32 = arith.constant 0 : i32
    %c0_i32_0 = arith.constant 0 : i32
    return %arg0, %c0_i32 : i32, i32
  }
}

</mosaic_0001>

<sc_bundles>
// kernel: kernel.11.cloned.1.call-start
scs
__scs_entry_jumppad:
0x0: {  	(pc) =	sbr.rel $0x88, $3  }
0x1: {  	(tag) =	ssettag $0x0;
	lr =	simm.s32 $0x1  }
0x2: {  	[smem:$0x3F9B] =	sst lr;
	_ =	strace $0xD0000000  }
0x3: {  	_ = 	snop  }
0x4: {  	_ = 	snop  }
0x5: {  	_ = 	snop  }
0x6: {  	_ = 	snop  }
0x7: {  	_ = 	snop  }
__scs_overlays_trampoline_lowered:
0x8: {  	[smem:$0x3FAA] =	sst s0  }
0x9: {  	[smem:$0x3FAB] =	sst s1  }
0xa: {  	[smem:$0x3FAC] =	sst s2  }
0xb: {  	[smem:$0x3FAD] =	sst s3  }
0xc: {  	[smem:$0x3FAE] =	sst s4  }
0xd: {  	[smem:$0x3FAF] =	sst s5  }
0xe: {  	[smem:$0x3FB0] =	sst s6  }
0xf: {  	[smem:$0x3FB1] =	sst s7  }
0x10: {  	[smem:$0x3FB2] =	sst s8  }
0x11: {  	[smem:$0x3FB3] =	sst s9;
	s0 =	simm.s32 @!p0 $0x0  }
0x12: {  	s1 =	sld [smem:$0x3F99];
	s0 =	simm.s32 @p0 $0x1  }
0x13: {  	[smem:$0x3FB4] =	sst s0;
	s0 =	simm.s32 @!p1 $0x0  }
0x14: {  	s2 =	sld [smem:$0x3F98];
	s0 =	simm.s32 @p1 $0x1  }
0x15: {  	[smem:$0x3FB5] =	sst s0;
	s0 =	simm.s32 @!p2 $0x0  }
0x16: {  	s3 =	sld [smem:$0x3FDB];
	s0 =	simm.s32 @p2 $0x1  }
0x17: {  	s4 =	simm.s32 $0x1BF5;
	[smem:$0x3FB7] =	sst s0  }
0x18: {  	s0 =	sld [smem:$0x3F9A];
	_ =	swait.ge [sflag:s4], $0x0  }
0x19: {  	s7 =	sld [smem:$0x3F9B]  }
0x1a: {  	s8 =	sadd.s32 $0xFFFFE003, lr  }
0x1b: {  	s9 =	sadd.s32 $0xFFFFFEF7, lr;
	s5 =	simm.s32 $0xFFFFFFFF;
	p2 =	slt.u32 s8, $0xFFFFF086  }
0x1c: {  	p1 =	slt.u32 s9, $0xF7A;
	s5 =	simm.s32 @!p2 $0x0  }
0x1d: {  	s5 =	simm.s32 @p1 $0x1;
	p0 =	seq.s32 s7, s2  }
0x1e: {  	s7 =	smul.u32 @!p0 $0xF7A, s2;
	p2 =	seq.s32 @!p0 s5, $0x0  }
0x1f: {  	s9 =	smul.u32 $0xF7A, s1;
	s8 =	simm.s32 @!p0 $0x1BF5;
	p2 =	por !p2, p0  }
0x20: {  	[sflag:s8] =	ssyncset.s32 @!p0 $0xFFFFF086;
	s6 =	sadd.s32 @!p0 s3, s7;
	s7 =	simm.s32 @!p0 $0x108  }
0x21: {  	s3 =	sadd.s32 s3, s9;
	s6 =	sadd.s32 @!p0 $0x88, s6;
	s7 =	simm.s32 @p2 $0x1082  }
0x22: {  	[simem:s7], [sflag:s8] =	dma.local @!p0 [hbm:s6], $0xF7A  }
0x23: {  	s9 =	sor.u32 $0xD0000000, s2;
	s6 =	simm.s32 $0x108;
	_ =	swait.ge @!p0 [sflag:s8], $0x0  }
0x24: {  	s3 =	sadd.s32 $0x88, s3;
	s6 =	simm.s32 @!p1 $0x1082;
	[sflag:s4] =	ssyncset.s32 $0xFFFFF086  }
0x25: {  	[simem:s6], [sflag:s4] =	dma.local [hbm:s3], $0xF7A  }
0x26: {  	[smem:$0x3F9B] =	sst s1;
	(tag) =	ssettag s2;
	_ =	strace s9  }
0x27: {  	s1 =	sld [smem:$0x3FAB]  }
0x28: {  	s2 =	sld [smem:$0x3FAC]  }
0x29: {  	s4 =	sld [smem:$0x3FAE]  }
0x2a: {  	p0 =	seq.s32 s5, $0x0;
	s5 =	sld [smem:$0x3FAF]  }
0x2b: {  	s6 =	sld [smem:$0x3FB0]  }
0x2c: {  	s7 =	sld [smem:$0x3FB1]  }
0x2d: {  	s3 =	simm.s32 $0x108;
	s8 =	sld [smem:$0x3FB2]  }
0x2e: {  	s3 =	simm.s32 @!p0 $0x1082;
	s9 =	sld [smem:$0x3FB3]  }
0x2f: {  	lr =	sadd.s32 s0, s3;
	s0 =	sld [smem:$0x3FAA]  }
0x30: {  	s3 =	sld [smem:$0x3FAD]  }
0x31: {  	[smem:$0x3FB6] =	sst s10  }
0x32: {  	s10 =	sld [smem:$0x3FB4];
	_ =	sdelay $0x3  }
0x33: {  	p0 =	seq.s32 s10, $0x1;
	s10 =	sld [smem:$0x3FB6];
	_ =	sdelay $0x3  }
0x34: {  	[smem:$0x3FB6] =	sst s10  }
0x35: {  	s10 =	sld [smem:$0x3FB5];
	_ =	sdelay $0x3  }
0x36: {  	p1 =	seq.s32 s10, $0x1;
	s10 =	sld [smem:$0x3FB6];
	_ =	sdelay $0x3  }
0x37: {  	[smem:$0x3FB6] =	sst s10  }
0x38: {  	s10 =	sld [smem:$0x3FB7]  }
0x39: {  	_ = 	snop;
	(pc) =	sbr.ind lr, $3  }
0x3a: {  	_ = 	snop  }
0x3b: {  	_ = 	snop  }
0x3c: {  	p2 =	seq.s32 s10, $0x1;
	s10 =	sld [smem:$0x3FB6]  }
0x3d: {  	_ =	shalt  }
0x3e: {  	_ =	shalt  }
0x3f: {  	_ =	shalt  }
0x40: {  	_ =	shalt  }
0x41: {  	_ =	shalt  }
0x42: {  	_ =	shalt  }
0x43: {  	_ =	shalt  }
0x44: {  	_ =	shalt  }
0x45: {  	_ =	shalt  }
0x46: {  	_ =	shalt  }
0x47: {  	_ =	shalt  }
0x48: {  	_ =	shalt  }
0x49: {  	_ =	shalt  }
0x4a: {  	_ =	shalt  }
0x4b: {  	_ =	shalt  }
0x4c: {  	_ =	shalt  }
0x4d: {  	_ =	shalt  }
0x4e: {  	_ =	shalt  }
0x4f: {  	_ =	shalt  }
0x50: {  	_ =	shalt  }
0x51: {  	_ =	shalt  }
0x52: {  	_ =	shalt  }
0x53: {  	_ =	shalt  }
0x54: {  	_ =	shalt  }
0x55: {  	_ =	shalt  }
0x56: {  	_ =	shalt  }
0x57: {  	_ =	shalt  }
0x58: {  	_ =	shalt  }
0x59: {  	_ =	shalt  }
0x5a: {  	_ =	shalt  }
0x5b: {  	_ =	shalt  }
0x5c: {  	_ =	shalt  }
0x5d: {  	_ =	shalt  }
0x5e: {  	_ =	shalt  }
0x5f: {  	_ =	shalt  }
0x60: {  	_ =	shalt  }
0x61: {  	_ =	shalt  }
0x62: {  	_ =	shalt  }
0x63: {  	_ =	shalt  }
0x64: {  	_ =	shalt  }
0x65: {  	_ =	shalt  }
0x66: {  	_ =	shalt  }
0x67: {  	_ =	shalt  }
0x68: {  	_ =	shalt  }
0x69: {  	_ =	shalt  }
0x6a: {  	_ =	shalt  }
0x6b: {  	_ =	shalt  }
0x6c: {  	_ =	shalt  }
0x6d: {  	_ =	shalt  }
0x6e: {  	_ =	shalt  }
0x6f: {  	_ =	shalt  }
0x70: {  	_ =	shalt  }
0x71: {  	_ =	shalt  }
0x72: {  	_ =	shalt  }
0x73: {  	_ =	shalt  }
0x74: {  	_ =	shalt  }
0x75: {  	_ =	shalt  }
0x76: {  	_ =	shalt  }
0x77: {  	_ =	shalt  }
0x78: {  	_ =	shalt  }
0x79: {  	_ =	shalt  }
0x7a: {  	_ =	shalt  }
0x7b: {  	_ =	shalt  }
0x7c: {  	_ =	shalt  }
0x7d: {  	_ =	shalt  }
0x7e: {  	_ =	shalt  }
0x7f: {  	_ =	shalt  }
0x80: {  	_ =	shalt  }
0x81: {  	_ =	shalt  }
0x82: {  	_ =	shalt  }
0x83: {  	_ =	shalt  }
0x84: {  	_ =	shalt  }
0x85: {  	_ =	shalt  }
0x86: {  	_ =	shalt  }
0x87: {  	_ =	shalt  }
.Lfunc_end0:
.L_simem_size_0:
called_computation.1_lowered:
.L_overlay_start_0:
0x88: {  	s2 =	sld [smem:$0x3FD9]  }
0x89: {  	s3 =	sld [smem:$0x3FFE];
	_ =	sdelay $0x1  }
0x8a: {  	s1 =	srdreg.scid  }
0x8b: {  	s0 =	sand.u32 $0x1, s1  }
0x8c: {  	s17 =	sshll.u32 s0, $0xA;
	s2 =	sadd.s32 s3, s2  }
0x8d: {  	s2 =	sadd.s32 s2, s17  }
0x8e: {  	[smem:$0x3FC2] =	sst s2  }
0x8f: {  	_ = 	snop  }
0x90: {  	s2 =	sld [smem:$0x3FD0];
	(tm) =	ssettm $0x1  }
0x91: {  	s18 =	sld [smem:$0x3FFB];
	_ =	sdelay $0x3  }
0x92: {  	_ =	strace s18  }
0x93: {  	s3 =	sld [smem:$0x3FFC];
	_ =	sdelay $0x3  }
0x94: {  	_ =	strace s3  }
0x95: {  	s3 =	sld [smem:$0x3FFD];
	_ =	sdelay $0x3  }
0x96: {  	_ =	strace s3  }
0x97: {  	_ =	strace $0x8FFFFFFF  }
0x98: {  	s19 =	sld [smem:$0x3FDB];
	_ =	sdelay $0x1  }
0x99: {  	s4 =	simm.s32 $_scs_section_size  }
0x9a: {  	s5 =	simm.s32 $_size__tile_overlayer_lowered;
	s6 =	simm.s32 $_tile_overlayer_lowered  }
0x9b: {  	s22 =	simm.s32 $0x1BFF;
	s21 =	sshll.u32 s6, $0x1;
	s3 =	sadd.s32 s4, s19  }
0x9c: {  	s7 =	simm.s32 $0x0;
	s20 =	sshll.u32 s5, $0x1;
	s5 =	sadd.s32 s21, s3  }
0x9d: {  	[timem:s7], [sflag:s22] =	dma.local [hbm:s5], s20  }
0x9e: {  	_ =	swait.ge [sflag:s22], s20  }
0x9f: {  	s4 =	ssub.s32 $0x0, s20;
	[sflag:s22] =	ssyncset.done $0x0  }
0xa0: {  	[sflag:s22] =	ssyncadd.s32 s4;
	_ =	sdelay $0x1  }
0xa1: {  	s23 =	simm.s32 $0x1B8B  }
0xa2: {  	_ =	swait.ge [sflag:s23], $0x1  }
0xa3: {  	[sflag:s23] =	ssyncset.done $0x0  }
0xa4: {  	s25 =	simm.s32 $0x1B8E;
	s24 =	sld [smem:$0x3FFE];
	[sflag:s23] =	ssyncadd.s32 $0xFFFFFFFF  }
0xa5: {  	s26 =	simm.s32 $execute0_lowered;
	[smem:$0x3FD2] =	sst s25  }
0xa6: {  	s5 =	sshll.u32 s26, $0x1;
	_ =	strace $0x80000049;
	[dreg:$0x1] =	wrdreg $0xFFFFFFFF  }
0xa7: {  	s28 =	simm.s32 $_size_execute0_lowered;
	s3 =	sadd.s32 s3, s5;
	[dreg:$0x0] =	wrdreg $0x0  }
0xa8: {  	s5 =	sshll.u32 s28, $0x1;
	[dreg:$0x2] =	wrdreg s3  }
0xa9: {  	[dreg:$0x3] =	wrdreg s5  }
0xaa: {  	[dreg:$0x4] =	wrdreg $0xC0  }
0xab: {  	_ =	task [dreg:s7], $0x5FFFF  }
0xac: {  	[dreg:$0x1] =	wrdreg $0xFFFFFFFF  }
0xad: {  	[dreg:$0x0] =	wrdreg $0x60  }
0xae: {  	[dreg:$0x2] =	wrdreg s24  }
0xaf: {  	[dreg:$0x3] =	wrdreg s2  }
0xb0: {  	[dreg:$0x4] =	wrdreg $0xC0000  }
0xb1: {  	[dreg:$0x5] =	wrdreg $0x9  }
0xb2: {  	_ =	task.clear_ibuf [dreg:s7], $0x6FFFF;
	_ =	strace $0x90000049  }
0xb3: {  	s29 =	simm.s32 $0x9;
	_ =	strace $0x8000004B  }
0xb4: {  	_ =	swait.ge [sflag:s29], $0x1  }
0xb5: {  	[sflag:s29] =	ssyncadd.s32 $0xFFFFFFFF  }
0xb6: {  	_ =	strace $0x9000004B  }
0xb7: {  	_ =	sfence  }
0xb8: {  	s30 =	sld [smem:$0x0];
	_ =	sdelay $0x2  }
0xb9: {  	s31 =	sshll.u32 s1, $0xD;
	s1 =	sshrl.u32 s1, $0x2  }
0xba: {  	s3 =	sand.u32 $0x4000, s31;
	s1 =	sadd.s32 s1, s30  }
0xbb: {  	s0 =	sor.u32 s3, s0;
	s1 =	sshll.u32 s1, $0x11  }
0xbc: {  	s0 =	sor.u32 s1, s0  }
0xbd: {  	s0 =	sadd.s32 $0x8F2B, s0  }
0xbe: {  	[sflag:s0] =	ssyncadd.remote.s32 $0x1  }
0xbf: {  	_ =	sfence.sel $0xFFFF  }
0xc0: {  	[dreg:$0x0] =	wrdreg $0xFFFFFFFF;
	(pc) =	sbr.abs _section_cstart, $3  }
0xc1: {  	[dreg:$0x1] =	wrdreg $0xFFFFFFFF  }
0xc2: {  	_ =	task.clear_ibuf [dreg:s7], $0x2FFFF;
	_ =	strace $0x9FFFFFFF  }
0xc3: {  	(tm) =	ssettm $0x7FFFFFFF  }
tec
execute0_lowered:
.L_overlay_start_1:
0x0: {  	(tag) =	ssettag $0x1  }
0x1: {  	s0 =	srdreg.scid  }
0x2: {  	s22 =	stileid.u32;
	s5 =	rddreg [dreg:$0x0]  }
0x3: {  	s8 =	rddreg [dreg:$0x1];
	s14 =	simm.s32 $0x400;
	s15 =	simm.s32 $0x2800  }
0x4: {  	s16 =	simm.s32 $0x60;
	s17 =	simm.s32 $0x6000;
	s18 =	simm.s32 $0x1  }
0x5: {  	s19 =	simm.s32 $0x9000;
	s20 =	simm.s32 $0x2;
	s21 =	simm.s32 $0x2880  }
0x6: {  	s28 =	simm.s32 $0x5C80;
	s29 =	simm.s32 $0x0;
	s23 =	smul.u32 $0x14000, s22  }
0x7: {  	s1 =	sand.u32 $0x1, s0;
	s7 =	sshll.u32 s22, $0x7;
	s24 =	smul.u32 $0x50000, s22  }
0x8: {  	s30 =	sshll.u32 s22, $0x6;
	s2 =	sshll.u32 s1, $0x4;
	s7 =	sand.u32 $0x380, s7  }
0x9: {  	s10 =	smul.u32 $0x140000, s1;
	s1 =	ssub.s32 $0x2, s1;
	s6 =	sor.u32 s22, s2  }
0xa: {  	s2 =	rddreg [dreg:$0x2];
	s11 =	sshrl.u32 s23, $0x3;
	s12 =	sshrl.u32 s1, $0x1  }
0xb: {  	s25 =	sshrl.u32 s24, $0x2;
	s22 =	simm.s32 $0x3;
	s24 =	simm.s32 $0x4  }
0xc: {  	s3 =	sshrl.u32 s6, $0x3;
	s11 =	sadd.s32 s11, s5;
	s1 =	ssub.s32 s1, s12  }
0xd: {  	s26 =	sadd.s32 s25, s2;
	s31 =	smul.u32 $0x700, s6;
	s6 =	sor.u32 $0x1C05, s30  }
0xe: {  	s12 =	simm.s32 $0x5;
	s4 =	smul.u32 $0x14000, s3;
	s3 =	simm.s32 $0x0  }
0xf: {  	s25 =	simm.s32 $0x5C00;
	[smem:$0x7FF] =	sst s3;
	s8 =	sadd.s32 s8, s31  }
0x10: {  	s4 =	sor.u32 s7, s4;
	_ =	strace $0x8000004A;
	s7 =	sadd.s32 s23, s10  }
0x11: {  	s10 =	smax.u32 s1, $0x1;
	s23 =	simm.s32 $0xC0;
	s9 =	sshrl.u32 s4, $0x3  }
0x12: {  	s4 =	sadd.s32 $0x16800, s5;
	s7 =	sshrl.u32 s7, $0x3;
	s9 =	sadd.s32 s9, s5  }
0x13: {  	s13 =	sadd.s32 s7, s5;
	s5 =	sadd.s32 $0x3E800, s11;
	s11 =	sshrl.u32 s26, $0x3  }
0x14: {  	s26 =	simm.s32 $0x2760;
	s7 =	sadd.s32 $0xC800, s9;
	s9 =	sadd.s32 $0x66800, s13  }
.LBB2_1:
0x15: {  	[spmem:s11], [sflag:s6] =	dma.local [hbm:s5], $0x2800  }
0x16: {  	_ =	swait.ge [sflag:s12], $0x2800  }
0x17: {  	[sflag:s12] =	ssyncset.done $0x0  }
0x18: {  	s0 =	simm.s32 $0x80;
	[sflag:s12] =	ssyncadd.s32 $0xFFFFD800  }
0x19: {  	[tilespmem:s3], [sflag:$0x5] =	stream.strided.gather [hbm4b:s7+s0], $0x2800, s14, s0, $0x38;
	v63 =	vld [tilespmem:$0x0]  }
0x1a: {  	_ =	swait.ge [sflag:s12], $0x2800  }
0x1b: {  	[sflag:s12] =	ssyncset.done $0x0  }
0x1c: {  	[sflag:s12] =	ssyncadd.s32 $0xFFFFD800  }
0x1d: {  	[tilespmem:s15], [sflag:$0x5] =	stream.linear.gather [hbm4b:s8+s3], $0x3500, $0x38;
	v63 =	vld [tilespmem:$0x0]  }
0x1e: {  	_ =	swait.ge [sflag:s12], $0x3500  }
0x1f: {  	[sflag:s12] =	ssyncset.done $0x0  }
0x20: {  	[sflag:s12] =	ssyncadd.s32 $0xFFFFCB00  }
0x21: {  	[bflag:$0x0] =	sbarrier.arrive $0xFFFF  }
0x22: {  	[tilespmem:s17], [sflag:$0x1] =	stream.indirect.gather [hbm4b:s4+s16], $0x80, s3, s16, $0xb8;
	v63 =	vld [tilespmem:$0x0]  }
0x23: {  	_ =	swait.ge [sflag:s18], $0x3000  }
0x24: {  	[sflag:s18] =	ssyncset.done $0x0  }
0x25: {  	[sflag:s18] =	ssyncadd.s32 $0xFFFFD000  }
0x26: {  	[spmem:s2] =	stream.indirect.scatter.add.f32 [tilespmem:s17], [sflag:$0x3], $0x80, s15, s16, $0xb8;
	v63 =	vld [tilespmem:$0x0]  }
0x27: {  	_ = 	snop  }
0x28: {  	[tilespmem:s19], [sflag:$0x2] =	stream.indirect.gather [hbm4b:s4+s16], $0x80, s16, s16, $0xb8;
	v63 =	vld [tilespmem:$0x0]  }
0x29: {  	_ =	swait.ge [sflag:s20], $0x3000  }
0x2a: {  	[sflag:s20] =	ssyncset.done $0x0  }
0x2b: {  	[sflag:s20] =	ssyncadd.s32 $0xFFFFD000  }
0x2c: {  	[spmem:s2] =	stream.indirect.scatter.add.f32 [tilespmem:s19], [sflag:$0x4], $0x80, s21, s16, $0xb8;
	v63 =	vld [tilespmem:$0x0]  }
0x2d: {  	_ =	swait.ge [sflag:s22], $0x3000  }
0x2e: {  	[sflag:s22] =	ssyncset.done $0x0  }
0x2f: {  	[sflag:s22] =	ssyncadd.s32 $0xFFFFD000  }
0x30: {  	[tilespmem:s17], [sflag:$0x1] =	stream.indirect.gather [hbm4b:s4+s16], $0x80, s23, s16, $0xb8;
	v63 =	vld [tilespmem:$0x0]  }
0x31: {  	_ =	swait.ge [sflag:s18], $0x3000  }
0x32: {  	[sflag:s18] =	ssyncset.done $0x0  }
0x33: {  	s1 =	simm.s32 $0x2900;
	[sflag:s18] =	ssyncadd.s32 $0xFFFFD000  }
0x34: {  	[spmem:s2] =	stream.indirect.scatter.add.f32 [tilespmem:s17], [sflag:$0x3], $0x80, s1, s16, $0xb8;
	v63 =	vld [tilespmem:$0x0]  }
0x35: {  	_ =	swait.ge [sflag:s24], $0x3000  }
0x36: {  	[sflag:s24] =	ssyncset.done $0x0  }
0x37: {  	s0 =	simm.s32 $0x120;
	[sflag:s24] =	ssyncadd.s32 $0xFFFFD000  }
0x38: {  	[tilespmem:s19], [sflag:$0x2] =	stream.indirect.gather [hbm4b:s4+s16], $0x80, s0, s16, $0xb8;
	v63 =	vld [tilespmem:$0x0]  }
0x39: {  	_ =	swait.ge [sflag:s20], $0x3000  }
0x3a: {  	[sflag:s20] =	ssyncset.done $0x0  }
0x3b: {  	s13 =	simm.s32 $0x2980;
	[sflag:s20] =	ssyncadd.s32 $0xFFFFD000  }
0x3c: {  	[spmem:s2] =	stream.indirect.scatter.add.f32 [tilespmem:s19], [sflag:$0x4], $0x80, s13, s16, $0xb8;
	v63 =	vld [tilespmem:$0x0]  }
0x3d: {  	_ =	swait.ge [sflag:s22], $0x3000  }
0x3e: {  	s30 =	simm.s32 $0x180;
	[sflag:s22] =	ssyncset.done $0x0  }
0x3f: {  	s31 =	simm.s32 $0xFFFF3800;
	s1 =	simm.s32 $0x240;
	[sflag:s22] =	ssyncadd.s32 $0xFFFFD000  }
.LBB2_2:
0x40: {  	[tilespmem:s17], [sflag:$0x1] =	stream.indirect.gather [hbm4b:s4+s16], $0x80, s30, s16, $0xb8;
	v63 =	vld [tilespmem:$0x0]  }
0x41: {  	s0 =	smov.u32 s31;
	s30 =	smov.u32 s1  }
0x42: {  	p0 =	sne.s32 s31, $0xFFFFFC00;
	s31 =	sadd.s32 $0x400, s31;
	_ =	swait.ge [sflag:s18], $0x3000  }
0x43: {  	s0 =	sshra.s32 s0, $0x2;
	[sflag:s18] =	ssyncset.done $0x0  }
0x44: {  	s13 =	sadd.s32 $0x5C00, s0;
	[sflag:s18] =	ssyncadd.s32 $0xFFFFD000  }
0x45: {  	[spmem:s2] =	stream.indirect.scatter.add.f32 [tilespmem:s17], [sflag:$0x3], $0x80, s13, s16, $0xb8;
	v63 =	vld [tilespmem:$0x0]  }
0x46: {  	_ =	swait.ge [sflag:s24], $0x3000  }
0x47: {  	[sflag:s24] =	ssyncset.done $0x0  }
0x48: {  	s13 =	sadd.s32 $0xFFFFFFA0, s1;
	[sflag:s24] =	ssyncadd.s32 $0xFFFFD000  }
0x49: {  	[tilespmem:s19], [sflag:$0x2] =	stream.indirect.gather [hbm4b:s4+s16], $0x80, s13, s16, $0xb8;
	v63 =	vld [tilespmem:$0x0]  }
0x4a: {  	_ =	swait.ge [sflag:s20], $0x3000  }
0x4b: {  	[sflag:s20] =	ssyncset.done $0x0  }
.Ltmp0:
0x4c: {  	s0 =	sadd.s32 $0x5C80, s0;
	[sflag:s20] =	ssyncadd.s32 $0xFFFFD000;
	(pc) =	sbr.rel @p0 .LBB2_2-.Ltmp0, $4  }
0x4d: {  	[spmem:s2] =	stream.indirect.scatter.add.f32 [tilespmem:s19], [sflag:$0x4], $0x80, s0, s16, $0xb8;
	v63 =	vld [tilespmem:$0x0]  }
0x4e: {  	_ =	swait.ge [sflag:s22], $0x3000  }
0x4f: {  	[sflag:s22] =	ssyncset.done $0x0  }
0x50: {  	s1 =	sadd.s32 $0xC0, s1;
	[sflag:s22] =	ssyncadd.s32 $0xFFFFD000  }
0x51: {  	[tilespmem:s17], [sflag:$0x1] =	stream.indirect.gather [hbm4b:s4+s16], $0x80, s30, s16, $0xb8;
	v63 =	vld [tilespmem:$0x0]  }
0x52: {  	_ =	swait.ge [sflag:s18], $0x3000  }
0x53: {  	[sflag:s18] =	ssyncset.done $0x0  }
0x54: {  	[sflag:s18] =	ssyncadd.s32 $0xFFFFD000  }
0x55: {  	[spmem:s2] =	stream.indirect.scatter.add.f32 [tilespmem:s17], [sflag:$0x3], $0x80, s25, s16, $0xb8;
	v63 =	vld [tilespmem:$0x0]  }
0x56: {  	_ =	swait.ge [sflag:s24], $0x3000  }
0x57: {  	[sflag:s24] =	ssyncset.done $0x0  }
0x58: {  	[sflag:s24] =	ssyncadd.s32 $0xFFFFD000  }
0x59: {  	[tilespmem:s19], [sflag:$0x2] =	stream.indirect.gather [hbm4b:s4+s16], $0x80, s26, s16, $0xb8;
	v63 =	vld [tilespmem:$0x0]  }
0x5a: {  	_ =	swait.ge [sflag:s20], $0x3000  }
0x5b: {  	[sflag:s20] =	ssyncset.done $0x0  }
0x5c: {  	[sflag:s20] =	ssyncadd.s32 $0xFFFFD000  }
0x5d: {  	[spmem:s2] =	stream.indirect.scatter.add.f32 [tilespmem:s19], [sflag:$0x4], $0x80, s28, s16, $0xb8;
	v63 =	vld [tilespmem:$0x0]  }
0x5e: {  	_ =	swait.ge [sflag:s22], $0x3000  }
0x5f: {  	[sflag:s22] =	ssyncset.done $0x0  }
0x60: {  	[sflag:s22] =	ssyncadd.s32 $0xFFFFD000  }
0x61: {  	[tilespmem:s17], [sflag:$0x1] =	stream.indirect.gather [hbm4b:s4+s16], $0x80, s26, s16, $0xb8;
	v63 =	vld [tilespmem:$0x0]  }
0x62: {  	_ =	swait.ge [sflag:s18], $0x3000  }
0x63: {  	[sflag:s18] =	ssyncset.done $0x0  }
0x64: {  	[sflag:s18] =	ssyncadd.s32 $0xFFFFD000  }
0x65: {  	_ =	swait.ge [sflag:s24], $0x3000  }
0x66: {  	s29 =	sadd.s32 $0x1, s29;
	[sflag:s24] =	ssyncset.done $0x0  }
0x67: {  	p0 =	sne.s32 s29, s10;
	[sflag:s24] =	ssyncadd.s32 $0xFFFFD000  }
.Ltmp1:
0x68: {  	[bflag:$0x0] =	sbarrier.arrive $0xFFFF;
	(pc) =	sbr.rel @p0 .LBB2_1-.Ltmp1, $4  }
0x69: {  	[hbm:s9], [sflag:s6] =	dma.local [spmem:s11], $0x2800  }
0x6a: {  	_ =	swait.ge [sflag:s12], $0x2800  }
0x6b: {  	[sflag:s12] =	ssyncset.done $0x0  }
0x6c: {  	[sflag:s12] =	ssyncadd.s32 $0xFFFFD800  }
0x6d: {  	_ =	sfence.sel $0x180000  }
0x6e: {  	[bflag:$0x0] =	sbarrier.arrive $0xFFFF  }
0x6f: {  	_ =	strace $0x9000004A  }
0x70: {  	s0 =	stileid.u32;
	[bflag:$0x2] =	sbarrier.arrive $0xFFFF  }
0x71: {  	p0 =	sne.s32 s0, $0x0;
	s0 =	rddreg [dreg:$0x3]  }
0x72: {  	s0 =	sadd.s32 @!p0 $0x100000, s0  }
0x73: {  	[sflag:s0] =	ssyncadd.tile.s32 @!p0 $0x1;
	_ =	shalt  }
.Lfunc_end2:
_tile_overlayer_lowered:
.L_overlay_start_2:
0x74: {  	(tag) =	ssettag $0x2  }
0x75: {  	s0 =	rddreg [dreg:$0x0];
	s2 =	stileid.u32  }
0x76: {  	s1 =	rddreg [dreg:$0x1];
	p0 =	sne.s32 s2, $0x0  }
0x77: {  	s3 =	rddreg [dreg:$0x2];
	[bflag:$0x3] =	sbarrier.arrive $0xFFFF;
	s2 =	simm.s32 @!p0 $0x1C05  }
0x78: {  	[timem:s3], [sflag:s2] =	dma.local @!p0 [hbm:s0], s1  }
0x79: {  	s0 =	simm.s32 @!p0 $0x5  }
0x7a: {  	_ =	swait.ge @!p0 [sflag:s0], s1  }
0x7b: {  	s1 =	ssub.s32 @!p0 $0x0, s1;
	[sflag:s0] =	ssyncset.done @!p0 $0x0  }
0x7c: {  	[sflag:s0] =	ssyncadd.s32 @!p0 s1  }
0x7d: {  	[bflag:$0x3] =	sbarrier.arrive $0xFFFF  }
0x7e: {  	_ =	shalt  }

// kernel: kernel.14.cloned.1.call-start
scs
__scs_entry_jumppad:
0x0: {  	(pc) =	sbr.rel $0x88, $3  }
0x1: {  	(tag) =	ssettag $0x0;
	lr =	simm.s32 $0x1  }
0x2: {  	[smem:$0x3F9B] =	sst lr;
	_ =	strace $0xD0000000  }
0x3: {  	_ = 	snop  }
0x4: {  	_ = 	snop  }
0x5: {  	_ = 	snop  }
0x6: {  	_ = 	snop  }
0x7: {  	_ = 	snop  }
__scs_overlays_trampoline_lowered:
0x8: {  	[smem:$0x3FAA] =	sst s0  }
0x9: {  	[smem:$0x3FAB] =	sst s1  }
0xa: {  	[smem:$0x3FAC] =	sst s2  }
0xb: {  	[smem:$0x3FAD] =	sst s3  }
0xc: {  	[smem:$0x3FAE] =	sst s4  }
0xd: {  	[smem:$0x3FAF] =	sst s5  }
0xe: {  	[smem:$0x3FB0] =	sst s6  }
0xf: {  	[smem:$0x3FB1] =	sst s7  }
0x10: {  	[smem:$0x3FB2] =	sst s8  }
0x11: {  	[smem:$0x3FB3] =	sst s9;
	s0 =	simm.s32 @!p0 $0x0  }
0x12: {  	s1 =	sld [smem:$0x3F99];
	s0 =	simm.s32 @p0 $0x1  }
0x13: {  	[smem:$0x3FB4] =	sst s0;
	s0 =	simm.s32 @!p1 $0x0  }
0x14: {  	s2 =	sld [smem:$0x3F98];
	s0 =	simm.s32 @p1 $0x1  }
0x15: {  	[smem:$0x3FB5] =	sst s0;
	s0 =	simm.s32 @!p2 $0x0  }
0x16: {  	s3 =	sld [smem:$0x3FDB];
	s0 =	simm.s32 @p2 $0x1  }
0x17: {  	s4 =	simm.s32 $0x1BF5;
	[smem:$0x3FB7] =	sst s0  }
0x18: {  	s0 =	sld [smem:$0x3F9A];
	_ =	swait.ge [sflag:s4], $0x0  }
0x19: {  	s7 =	sld [smem:$0x3F9B]  }
0x1a: {  	s8 =	sadd.s32 $0xFFFFE003, lr  }
0x1b: {  	s9 =	sadd.s32 $0xFFFFFEF7, lr;
	s5 =	simm.s32 $0xFFFFFFFF;
	p2 =	slt.u32 s8, $0xFFFFF086  }
0x1c: {  	p1 =	slt.u32 s9, $0xF7A;
	s5 =	simm.s32 @!p2 $0x0  }
0x1d: {  	s5 =	simm.s32 @p1 $0x1;
	p0 =	seq.s32 s7, s2  }
0x1e: {  	s7 =	smul.u32 @!p0 $0xF7A, s2;
	p2 =	seq.s32 @!p0 s5, $0x0  }
0x1f: {  	s9 =	smul.u32 $0xF7A, s1;
	s8 =	simm.s32 @!p0 $0x1BF5;
	p2 =	por !p2, p0  }
0x20: {  	[sflag:s8] =	ssyncset.s32 @!p0 $0xFFFFF086;
	s6 =	sadd.s32 @!p0 s3, s7;
	s7 =	simm.s32 @!p0 $0x108  }
0x21: {  	s3 =	sadd.s32 s3, s9;
	s6 =	sadd.s32 @!p0 $0x88, s6;
	s7 =	simm.s32 @p2 $0x1082  }
0x22: {  	[simem:s7], [sflag:s8] =	dma.local @!p0 [hbm:s6], $0xF7A  }
0x23: {  	s9 =	sor.u32 $0xD0000000, s2;
	s6 =	simm.s32 $0x108;
	_ =	swait.ge @!p0 [sflag:s8], $0x0  }
0x24: {  	s3 =	sadd.s32 $0x88, s3;
	s6 =	simm.s32 @!p1 $0x1082;
	[sflag:s4] =	ssyncset.s32 $0xFFFFF086  }
0x25: {  	[simem:s6], [sflag:s4] =	dma.local [hbm:s3], $0xF7A  }
0x26: {  	[smem:$0x3F9B] =	sst s1;
	(tag) =	ssettag s2;
	_ =	strace s9  }
0x27: {  	s1 =	sld [smem:$0x3FAB]  }
0x28: {  	s2 =	sld [smem:$0x3FAC]  }
0x29: {  	s4 =	sld [smem:$0x3FAE]  }
0x2a: {  	p0 =	seq.s32 s5, $0x0;
	s5 =	sld [smem:$0x3FAF]  }
0x2b: {  	s6 =	sld [smem:$0x3FB0]  }
0x2c: {  	s7 =	sld [smem:$0x3FB1]  }
0x2d: {  	s3 =	simm.s32 $0x108;
	s8 =	sld [smem:$0x3FB2]  }
0x2e: {  	s3 =	simm.s32 @!p0 $0x1082;
	s9 =	sld [smem:$0x3FB3]  }
0x2f: {  	lr =	sadd.s32 s0, s3;
	s0 =	sld [smem:$0x3FAA]  }
0x30: {  	s3 =	sld [smem:$0x3FAD]  }
0x31: {  	[smem:$0x3FB6] =	sst s10  }
0x32: {  	s10 =	sld [smem:$0x3FB4];
	_ =	sdelay $0x3  }
0x33: {  	p0 =	seq.s32 s10, $0x1;
	s10 =	sld [smem:$0x3FB6];
	_ =	sdelay $0x3  }
0x34: {  	[smem:$0x3FB6] =	sst s10  }
0x35: {  	s10 =	sld [smem:$0x3FB5];
	_ =	sdelay $0x3  }
0x36: {  	p1 =	seq.s32 s10, $0x1;
	s10 =	sld [smem:$0x3FB6];
	_ =	sdelay $0x3  }
0x37: {  	[smem:$0x3FB6] =	sst s10  }
0x38: {  	s10 =	sld [smem:$0x3FB7]  }
0x39: {  	_ = 	snop;
	(pc) =	sbr.ind lr, $3  }
0x3a: {  	_ = 	snop  }
0x3b: {  	_ = 	snop  }
0x3c: {  	p2 =	seq.s32 s10, $0x1;
	s10 =	sld [smem:$0x3FB6]  }
0x3d: {  	_ =	shalt  }
0x3e: {  	_ =	shalt  }
0x3f: {  	_ =	shalt  }
0x40: {  	_ =	shalt  }
0x41: {  	_ =	shalt  }
0x42: {  	_ =	shalt  }
0x43: {  	_ =	shalt  }
0x44: {  	_ =	shalt  }
0x45: {  	_ =	shalt  }
0x46: {  	_ =	shalt  }
0x47: {  	_ =	shalt  }
0x48: {  	_ =	shalt  }
0x49: {  	_ =	shalt  }
0x4a: {  	_ =	shalt  }
0x4b: {  	_ =	shalt  }
0x4c: {  	_ =	shalt  }
0x4d: {  	_ =	shalt  }
0x4e: {  	_ =	shalt  }
0x4f: {  	_ =	shalt  }
0x50: {  	_ =	shalt  }
0x51: {  	_ =	shalt  }
0x52: {  	_ =	shalt  }
0x53: {  	_ =	shalt  }
0x54: {  	_ =	shalt  }
0x55: {  	_ =	shalt  }
0x56: {  	_ =	shalt  }
0x57: {  	_ =	shalt  }
0x58: {  	_ =	shalt  }
0x59: {  	_ =	shalt  }
0x5a: {  	_ =	shalt  }
0x5b: {  	_ =	shalt  }
0x5c: {  	_ =	shalt  }
0x5d: {  	_ =	shalt  }
0x5e: {  	_ =	shalt  }
0x5f: {  	_ =	shalt  }
0x60: {  	_ =	shalt  }
0x61: {  	_ =	shalt  }
0x62: {  	_ =	shalt  }
0x63: {  	_ =	shalt  }
0x64: {  	_ =	shalt  }
0x65: {  	_ =	shalt  }
0x66: {  	_ =	shalt  }
0x67: {  	_ =	shalt  }
0x68: {  	_ =	shalt  }
0x69: {  	_ =	shalt  }
0x6a: {  	_ =	shalt  }
0x6b: {  	_ =	shalt  }
0x6c: {  	_ =	shalt  }
0x6d: {  	_ =	shalt  }
0x6e: {  	_ =	shalt  }
0x6f: {  	_ =	shalt  }
0x70: {  	_ =	shalt  }
0x71: {  	_ =	shalt  }
0x72: {  	_ =	shalt  }
0x73: {  	_ =	shalt  }
0x74: {  	_ =	shalt  }
0x75: {  	_ =	shalt  }
0x76: {  	_ =	shalt  }
0x77: {  	_ =	shalt  }
0x78: {  	_ =	shalt  }
0x79: {  	_ =	shalt  }
0x7a: {  	_ =	shalt  }
0x7b: {  	_ =	shalt  }
0x7c: {  	_ =	shalt  }
0x7d: {  	_ =	shalt  }
0x7e: {  	_ =	shalt  }
0x7f: {  	_ =	shalt  }
0x80: {  	_ =	shalt  }
0x81: {  	_ =	shalt  }
0x82: {  	_ =	shalt  }
0x83: {  	_ =	shalt  }
0x84: {  	_ =	shalt  }
0x85: {  	_ =	shalt  }
0x86: {  	_ =	shalt  }
0x87: {  	_ =	shalt  }
.Lfunc_end0:
.L_simem_size_0:
called_computation.2_lowered:
.L_overlay_start_0:
0x88: {  	s2 =	sld [smem:$0x3FD9]  }
0x89: {  	s3 =	sld [smem:$0x3FFE];
	_ =	sdelay $0x1  }
0x8a: {  	s1 =	srdreg.scid  }
0x8b: {  	s0 =	sand.u32 $0x1, s1  }
0x8c: {  	s17 =	sshll.u32 s0, $0xA;
	s2 =	sadd.s32 s3, s2  }
0x8d: {  	s2 =	sadd.s32 s2, s17  }
0x8e: {  	[smem:$0x3FC2] =	sst s2  }
0x8f: {  	_ = 	snop  }
0x90: {  	s2 =	sld [smem:$0x3FD0];
	(tm) =	ssettm $0x1  }
0x91: {  	s18 =	sld [smem:$0x3FFB];
	_ =	sdelay $0x3  }
0x92: {  	_ =	strace s18  }
0x93: {  	s3 =	sld [smem:$0x3FFC];
	_ =	sdelay $0x3  }
0x94: {  	_ =	strace s3  }
0x95: {  	s3 =	sld [smem:$0x3FFD];
	_ =	sdelay $0x3  }
0x96: {  	_ =	strace s3  }
0x97: {  	_ =	strace $0x8FFFFFFF  }
0x98: {  	s19 =	sld [smem:$0x3FDB];
	_ =	sdelay $0x1  }
0x99: {  	s4 =	simm.s32 $_scs_section_size  }
0x9a: {  	s5 =	simm.s32 $_size__tile_overlayer_lowered;
	s6 =	simm.s32 $_tile_overlayer_lowered  }
0x9b: {  	s22 =	simm.s32 $0x1BFF;
	s21 =	sshll.u32 s6, $0x1;
	s3 =	sadd.s32 s4, s19  }
0x9c: {  	s7 =	simm.s32 $0x0;
	s20 =	sshll.u32 s5, $0x1;
	s5 =	sadd.s32 s21, s3  }
0x9d: {  	[timem:s7], [sflag:s22] =	dma.local [hbm:s5], s20  }
0x9e: {  	_ =	swait.ge [sflag:s22], s20  }
0x9f: {  	s4 =	ssub.s32 $0x0, s20;
	[sflag:s22] =	ssyncset.done $0x0  }
0xa0: {  	[sflag:s22] =	ssyncadd.s32 s4;
	_ =	sdelay $0x1  }
0xa1: {  	s23 =	simm.s32 $0x1B8B  }
0xa2: {  	_ =	swait.ge [sflag:s23], $0x1  }
0xa3: {  	[sflag:s23] =	ssyncset.done $0x0  }
0xa4: {  	s25 =	simm.s32 $0x1B8E;
	s24 =	sld [smem:$0x3FFE];
	[sflag:s23] =	ssyncadd.s32 $0xFFFFFFFF  }
0xa5: {  	s26 =	simm.s32 $execute0_lowered;
	[smem:$0x3FD2] =	sst s25  }
0xa6: {  	s5 =	sshll.u32 s26, $0x1;
	_ =	strace $0x8000004C;
	[dreg:$0x1] =	wrdreg $0xFFFFFFFF  }
0xa7: {  	s28 =	simm.s32 $_size_execute0_lowered;
	s3 =	sadd.s32 s3, s5;
	[dreg:$0x0] =	wrdreg $0x0  }
0xa8: {  	s5 =	sshll.u32 s28, $0x1;
	[dreg:$0x2] =	wrdreg s3  }
0xa9: {  	[dreg:$0x3] =	wrdreg s5  }
0xaa: {  	[dreg:$0x4] =	wrdreg $0xC0  }
0xab: {  	_ =	task [dreg:s7], $0x5FFFF  }
0xac: {  	[dreg:$0x1] =	wrdreg $0xFFFFFFFF  }
0xad: {  	[dreg:$0x0] =	wrdreg $0x60  }
0xae: {  	[dreg:$0x2] =	wrdreg s24  }
0xaf: {  	[dreg:$0x3] =	wrdreg s2  }
0xb0: {  	[dreg:$0x4] =	wrdreg $0xC0000  }
0xb1: {  	[dreg:$0x5] =	wrdreg $0x9  }
0xb2: {  	_ =	task.clear_ibuf [dreg:s7], $0x6FFFF;
	_ =	strace $0x9000004C  }
0xb3: {  	s29 =	simm.s32 $0x9;
	_ =	strace $0x8000004E  }
0xb4: {  	_ =	swait.ge [sflag:s29], $0x1  }
0xb5: {  	[sflag:s29] =	ssyncadd.s32 $0xFFFFFFFF  }
0xb6: {  	_ =	strace $0x9000004E  }
0xb7: {  	_ =	sfence  }
0xb8: {  	s30 =	sld [smem:$0x0];
	_ =	sdelay $0x2  }
0xb9: {  	s31 =	sshll.u32 s1, $0xD;
	s1 =	sshrl.u32 s1, $0x2  }
0xba: {  	s3 =	sand.u32 $0x4000, s31;
	s1 =	sadd.s32 s1, s30  }
0xbb: {  	s0 =	sor.u32 s3, s0;
	s1 =	sshll.u32 s1, $0x11  }
0xbc: {  	s0 =	sor.u32 s1, s0  }
0xbd: {  	s0 =	sadd.s32 $0x8F2B, s0  }
0xbe: {  	[sflag:s0] =	ssyncadd.remote.s32 $0x1  }
0xbf: {  	_ =	sfence.sel $0xFFFF  }
0xc0: {  	[dreg:$0x0] =	wrdreg $0xFFFFFFFF;
	(pc) =	sbr.abs _section_cstart, $3  }
0xc1: {  	[dreg:$0x1] =	wrdreg $0xFFFFFFFF  }
0xc2: {  	_ =	task.clear_ibuf [dreg:s7], $0x2FFFF;
	_ =	strace $0x9FFFFFFF  }
0xc3: {  	(tm) =	ssettm $0x7FFFFFFF  }
tec
execute0_lowered:
.L_overlay_start_1:
0x0: {  	(tag) =	ssettag $0x1  }
0x1: {  	s0 =	srdreg.scid  }
0x2: {  	s22 =	stileid.u32;
	s5 =	rddreg [dreg:$0x0]  }
0x3: {  	s8 =	rddreg [dreg:$0x1];
	s14 =	simm.s32 $0x400;
	s15 =	simm.s32 $0x2800  }
0x4: {  	s16 =	simm.s32 $0x60;
	s17 =	simm.s32 $0x6000;
	s18 =	simm.s32 $0x1  }
0x5: {  	s19 =	simm.s32 $0x9000;
	s20 =	simm.s32 $0x2;
	s21 =	simm.s32 $0x2880  }
0x6: {  	s28 =	simm.s32 $0x5C80;
	s29 =	simm.s32 $0x0;
	s23 =	smul.u32 $0x14000, s22  }
0x7: {  	s1 =	sand.u32 $0x1, s0;
	s7 =	sshll.u32 s22, $0x7;
	s24 =	smul.u32 $0x50000, s22  }
0x8: {  	s30 =	sshll.u32 s22, $0x6;
	s2 =	sshll.u32 s1, $0x4;
	s7 =	sand.u32 $0x380, s7  }
0x9: {  	s10 =	smul.u32 $0x140000, s1;
	s1 =	ssub.s32 $0x2, s1;
	s6 =	sor.u32 s22, s2  }
0xa: {  	s2 =	rddreg [dreg:$0x2];
	s11 =	sshrl.u32 s23, $0x3;
	s12 =	sshrl.u32 s1, $0x1  }
0xb: {  	s25 =	sshrl.u32 s24, $0x2;
	s22 =	simm.s32 $0x3;
	s24 =	simm.s32 $0x4  }
0xc: {  	s3 =	sshrl.u32 s6, $0x3;
	s11 =	sadd.s32 s11, s5;
	s1 =	ssub.s32 s1, s12  }
0xd: {  	s26 =	sadd.s32 s25, s2;
	s31 =	smul.u32 $0x700, s6;
	s6 =	sor.u32 $0x1C05, s30  }
0xe: {  	s12 =	simm.s32 $0x5;
	s4 =	smul.u32 $0x14000, s3;
	s3 =	simm.s32 $0x0  }
0xf: {  	s25 =	simm.s32 $0x5C00;
	[smem:$0x7FF] =	sst s3;
	s8 =	sadd.s32 s8, s31  }
0x10: {  	s4 =	sor.u32 s7, s4;
	_ =	strace $0x8000004D;
	s7 =	sadd.s32 s23, s10  }
0x11: {  	s10 =	smax.u32 s1, $0x1;
	s23 =	simm.s32 $0xC0;
	s9 =	sshrl.u32 s4, $0x3  }
0x12: {  	s4 =	sadd.s32 $0x16800, s5;
	s7 =	sshrl.u32 s7, $0x3;
	s9 =	sadd.s32 s9, s5  }
0x13: {  	s13 =	sadd.s32 s7, s5;
	s5 =	sadd.s32 $0x3E800, s11;
	s11 =	sshrl.u32 s26, $0x3  }
0x14: {  	s26 =	simm.s32 $0x2760;
	s7 =	sadd.s32 $0xC800, s9;
	s9 =	sadd.s32 $0x66800, s13  }
.LBB2_1:
0x15: {  	[spmem:s11], [sflag:s6] =	dma.local [hbm:s5], $0x2800  }
0x16: {  	_ =	swait.ge [sflag:s12], $0x2800  }
0x17: {  	[sflag:s12] =	ssyncset.done $0x0  }
0x18: {  	s0 =	simm.s32 $0x80;
	[sflag:s12] =	ssyncadd.s32 $0xFFFFD800  }
0x19: {  	[tilespmem:s3], [sflag:$0x5] =	stream.strided.gather [hbm4b:s7+s0], $0x2800, s14, s0, $0x38;
	v63 =	vld [tilespmem:$0x0]  }
0x1a: {  	_ =	swait.ge [sflag:s12], $0x2800  }
0x1b: {  	[sflag:s12] =	ssyncset.done $0x0  }
0x1c: {  	[sflag:s12] =	ssyncadd.s32 $0xFFFFD800  }
0x1d: {  	[tilespmem:s15], [sflag:$0x5] =	stream.linear.gather [hbm4b:s8+s3], $0x3500, $0x38;
	v63 =	vld [tilespmem:$0x0]  }
0x1e: {  	_ =	swait.ge [sflag:s12], $0x3500  }
0x1f: {  	[sflag:s12] =	ssyncset.done $0x0  }
0x20: {  	[sflag:s12] =	ssyncadd.s32 $0xFFFFCB00  }
0x21: {  	[bflag:$0x0] =	sbarrier.arrive $0xFFFF  }
0x22: {  	[tilespmem:s17], [sflag:$0x1] =	stream.indirect.gather [hbm4b:s4+s16], $0x80, s3, s16, $0xb8;
	v63 =	vld [tilespmem:$0x0]  }
0x23: {  	_ =	swait.ge [sflag:s18], $0x3000  }
0x24: {  	[sflag:s18] =	ssyncset.done $0x0  }
0x25: {  	[sflag:s18] =	ssyncadd.s32 $0xFFFFD000  }
0x26: {  	[spmem:s2] =	stream.indirect.scatter.add.f32 [tilespmem:s17], [sflag:$0x3], $0x80, s15, s16, $0xb8;
	v63 =	vld [tilespmem:$0x0]  }
0x27: {  	_ = 	snop  }
0x28: {  	[tilespmem:s19], [sflag:$0x2] =	stream.indirect.gather [hbm4b:s4+s16], $0x80, s16, s16, $0xb8;
	v63 =	vld [tilespmem:$0x0]  }
0x29: {  	_ =	swait.ge [sflag:s20], $0x3000  }
0x2a: {  	[sflag:s20] =	ssyncset.done $0x0  }
0x2b: {  	[sflag:s20] =	ssyncadd.s32 $0xFFFFD000  }
0x2c: {  	[spmem:s2] =	stream.indirect.scatter.add.f32 [tilespmem:s19], [sflag:$0x4], $0x80, s21, s16, $0xb8;
	v63 =	vld [tilespmem:$0x0]  }
0x2d: {  	_ =	swait.ge [sflag:s22], $0x3000  }
0x2e: {  	[sflag:s22] =	ssyncset.done $0x0  }
0x2f: {  	[sflag:s22] =	ssyncadd.s32 $0xFFFFD000  }
0x30: {  	[tilespmem:s17], [sflag:$0x1] =	stream.indirect.gather [hbm4b:s4+s16], $0x80, s23, s16, $0xb8;
	v63 =	vld [tilespmem:$0x0]  }
0x31: {  	_ =	swait.ge [sflag:s18], $0x3000  }
0x32: {  	[sflag:s18] =	ssyncset.done $0x0  }
0x33: {  	s1 =	simm.s32 $0x2900;
	[sflag:s18] =	ssyncadd.s32 $0xFFFFD000  }
0x34: {  	[spmem:s2] =	stream.indirect.scatter.add.f32 [tilespmem:s17], [sflag:$0x3], $0x80, s1, s16, $0xb8;
	v63 =	vld [tilespmem:$0x0]  }
0x35: {  	_ =	swait.ge [sflag:s24], $0x3000  }
0x36: {  	[sflag:s24] =	ssyncset.done $0x0  }
0x37: {  	s0 =	simm.s32 $0x120;
	[sflag:s24] =	ssyncadd.s32 $0xFFFFD000  }
0x38: {  	[tilespmem:s19], [sflag:$0x2] =	stream.indirect.gather [hbm4b:s4+s16], $0x80, s0, s16, $0xb8;
	v63 =	vld [tilespmem:$0x0]  }
0x39: {  	_ =	swait.ge [sflag:s20], $0x3000  }
0x3a: {  	[sflag:s20] =	ssyncset.done $0x0  }
0x3b: {  	s13 =	simm.s32 $0x2980;
	[sflag:s20] =	ssyncadd.s32 $0xFFFFD000  }
0x3c: {  	[spmem:s2] =	stream.indirect.scatter.add.f32 [tilespmem:s19], [sflag:$0x4], $0x80, s13, s16, $0xb8;
	v63 =	vld [tilespmem:$0x0]  }
0x3d: {  	_ =	swait.ge [sflag:s22], $0x3000  }
0x3e: {  	s30 =	simm.s32 $0x180;
	[sflag:s22] =	ssyncset.done $0x0  }
0x3f: {  	s31 =	simm.s32 $0xFFFF3800;
	s1 =	simm.s32 $0x240;
	[sflag:s22] =	ssyncadd.s32 $0xFFFFD000  }
.LBB2_2:
0x40: {  	[tilespmem:s17], [sflag:$0x1] =	stream.indirect.gather [hbm4b:s4+s16], $0x80, s30, s16, $0xb8;
	v63 =	vld [tilespmem:$0x0]  }
0x41: {  	s0 =	smov.u32 s31;
	s30 =	smov.u32 s1  }
0x42: {  	p0 =	sne.s32 s31, $0xFFFFFC00;
	s31 =	sadd.s32 $0x400, s31;
	_ =	swait.ge [sflag:s18], $0x3000  }
0x43: {  	s0 =	sshra.s32 s0, $0x2;
	[sflag:s18] =	ssyncset.done $0x0  }
0x44: {  	s13 =	sadd.s32 $0x5C00, s0;
	[sflag:s18] =	ssyncadd.s32 $0xFFFFD000  }
0x45: {  	[spmem:s2] =	stream.indirect.scatter.add.f32 [tilespmem:s17], [sflag:$0x3], $0x80, s13, s16, $0xb8;
	v63 =	vld [tilespmem:$0x0]  }
0x46: {  	_ =	swait.ge [sflag:s24], $0x3000  }
0x47: {  	[sflag:s24] =	ssyncset.done $0x0  }
0x48: {  	s13 =	sadd.s32 $0xFFFFFFA0, s1;
	[sflag:s24] =	ssyncadd.s32 $0xFFFFD000  }
0x49: {  	[tilespmem:s19], [sflag:$0x2] =	stream.indirect.gather [hbm4b:s4+s16], $0x80, s13, s16, $0xb8;
	v63 =	vld [tilespmem:$0x0]  }
0x4a: {  	_ =	swait.ge [sflag:s20], $0x3000  }
0x4b: {  	[sflag:s20] =	ssyncset.done $0x0  }
.Ltmp0:
0x4c: {  	s0 =	sadd.s32 $0x5C80, s0;
	[sflag:s20] =	ssyncadd.s32 $0xFFFFD000;
	(pc) =	sbr.rel @p0 .LBB2_2-.Ltmp0, $4  }
0x4d: {  	[spmem:s2] =	stream.indirect.scatter.add.f32 [tilespmem:s19], [sflag:$0x4], $0x80, s0, s16, $0xb8;
	v63 =	vld [tilespmem:$0x0]  }
0x4e: {  	_ =	swait.ge [sflag:s22], $0x3000  }
0x4f: {  	[sflag:s22] =	ssyncset.done $0x0  }
0x50: {  	s1 =	sadd.s32 $0xC0, s1;
	[sflag:s22] =	ssyncadd.s32 $0xFFFFD000  }
0x51: {  	[tilespmem:s17], [sflag:$0x1] =	stream.indirect.gather [hbm4b:s4+s16], $0x80, s30, s16, $0xb8;
	v63 =	vld [tilespmem:$0x0]  }
0x52: {  	_ =	swait.ge [sflag:s18], $0x3000  }
0x53: {  	[sflag:s18] =	ssyncset.done $0x0  }
0x54: {  	[sflag:s18] =	ssyncadd.s32 $0xFFFFD000  }
0x55: {  	[spmem:s2] =	stream.indirect.scatter.add.f32 [tilespmem:s17], [sflag:$0x3], $0x80, s25, s16, $0xb8;
	v63 =	vld [tilespmem:$0x0]  }
0x56: {  	_ =	swait.ge [sflag:s24], $0x3000  }
0x57: {  	[sflag:s24] =	ssyncset.done $0x0  }
0x58: {  	[sflag:s24] =	ssyncadd.s32 $0xFFFFD000  }
0x59: {  	[tilespmem:s19], [sflag:$0x2] =	stream.indirect.gather [hbm4b:s4+s16], $0x80, s26, s16, $0xb8;
	v63 =	vld [tilespmem:$0x0]  }
0x5a: {  	_ =	swait.ge [sflag:s20], $0x3000  }
0x5b: {  	[sflag:s20] =	ssyncset.done $0x0  }
0x5c: {  	[sflag:s20] =	ssyncadd.s32 $0xFFFFD000  }
0x5d: {  	[spmem:s2] =	stream.indirect.scatter.add.f32 [tilespmem:s19], [sflag:$0x4], $0x80, s28, s16, $0xb8;
	v63 =	vld [tilespmem:$0x0]  }
0x5e: {  	_ =	swait.ge [sflag:s22], $0x3000  }
0x5f: {  	[sflag:s22] =	ssyncset.done $0x0  }
0x60: {  	[sflag:s22] =	ssyncadd.s32 $0xFFFFD000  }
0x61: {  	[tilespmem:s17], [sflag:$0x1] =	stream.indirect.gather [hbm4b:s4+s16], $0x80, s26, s16, $0xb8;
	v63 =	vld [tilespmem:$0x0]  }
0x62: {  	_ =	swait.ge [sflag:s18], $0x3000  }
0x63: {  	[sflag:s18] =	ssyncset.done $0x0  }
0x64: {  	[sflag:s18] =	ssyncadd.s32 $0xFFFFD000  }
0x65: {  	_ =	swait.ge [sflag:s24], $0x3000  }
0x66: {  	s29 =	sadd.s32 $0x1, s29;
	[sflag:s24] =	ssyncset.done $0x0  }
0x67: {  	p0 =	sne.s32 s29, s10;
	[sflag:s24] =	ssyncadd.s32 $0xFFFFD000  }
.Ltmp1:
0x68: {  	[bflag:$0x0] =	sbarrier.arrive $0xFFFF;
	(pc) =	sbr.rel @p0 .LBB2_1-.Ltmp1, $4  }
0x69: {  	[hbm:s9], [sflag:s6] =	dma.local [spmem:s11], $0x2800  }
0x6a: {  	_ =	swait.ge [sflag:s12], $0x2800  }
0x6b: {  	[sflag:s12] =	ssyncset.done $0x0  }
0x6c: {  	[sflag:s12] =	ssyncadd.s32 $0xFFFFD800  }
0x6d: {  	_ =	sfence.sel $0x180000  }
0x6e: {  	[bflag:$0x0] =	sbarrier.arrive $0xFFFF  }
0x6f: {  	_ =	strace $0x9000004D  }
0x70: {  	s0 =	stileid.u32;
	[bflag:$0x2] =	sbarrier.arrive $0xFFFF  }
0x71: {  	p0 =	sne.s32 s0, $0x0;
	s0 =	rddreg [dreg:$0x3]  }
0x72: {  	s0 =	sadd.s32 @!p0 $0x100000, s0  }
0x73: {  	[sflag:s0] =	ssyncadd.tile.s32 @!p0 $0x1;
	_ =	shalt  }
.Lfunc_end2:
_tile_overlayer_lowered:
.L_overlay_start_2:
0x74: {  	(tag) =	ssettag $0x2  }
0x75: {  	s0 =	rddreg [dreg:$0x0];
	s2 =	stileid.u32  }
0x76: {  	s1 =	rddreg [dreg:$0x1];
	p0 =	sne.s32 s2, $0x0  }
0x77: {  	s3 =	rddreg [dreg:$0x2];
	[bflag:$0x3] =	sbarrier.arrive $0xFFFF;
	s2 =	simm.s32 @!p0 $0x1C05  }
0x78: {  	[timem:s3], [sflag:s2] =	dma.local @!p0 [hbm:s0], s1  }
0x79: {  	s0 =	simm.s32 @!p0 $0x5  }
0x7a: {  	_ =	swait.ge @!p0 [sflag:s0], s1  }
0x7b: {  	s1 =	ssub.s32 @!p0 $0x0, s1;
	[sflag:s0] =	ssyncset.done @!p0 $0x0  }
0x7c: {  	[sflag:s0] =	ssyncadd.s32 @!p0 s1  }
0x7d: {  	[bflag:$0x3] =	sbarrier.arrive $0xFFFF  }
0x7e: {  	_ =	shalt  }

// kernel: kernel.8.cloned.1.call-start
scs
__scs_entry_jumppad:
0x0: {  	(pc) =	sbr.rel $0x88, $3  }
0x1: {  	(tag) =	ssettag $0x0;
	lr =	simm.s32 $0x1  }
0x2: {  	[smem:$0x3F9B] =	sst lr;
	_ =	strace $0xD0000000  }
0x3: {  	_ = 	snop  }
0x4: {  	_ = 	snop  }
0x5: {  	_ = 	snop  }
0x6: {  	_ = 	snop  }
0x7: {  	_ = 	snop  }
__scs_overlays_trampoline_lowered:
0x8: {  	[smem:$0x3FAA] =	sst s0  }
0x9: {  	[smem:$0x3FAB] =	sst s1  }
0xa: {  	[smem:$0x3FAC] =	sst s2  }
0xb: {  	[smem:$0x3FAD] =	sst s3  }
0xc: {  	[smem:$0x3FAE] =	sst s4  }
0xd: {  	[smem:$0x3FAF] =	sst s5  }
0xe: {  	[smem:$0x3FB0] =	sst s6  }
0xf: {  	[smem:$0x3FB1] =	sst s7  }
0x10: {  	[smem:$0x3FB2] =	sst s8  }
0x11: {  	[smem:$0x3FB3] =	sst s9;
	s0 =	simm.s32 @!p0 $0x0  }
0x12: {  	s1 =	sld [smem:$0x3F99];
	s0 =	simm.s32 @p0 $0x1  }
0x13: {  	[smem:$0x3FB4] =	sst s0;
	s0 =	simm.s32 @!p1 $0x0  }
0x14: {  	s2 =	sld [smem:$0x3F98];
	s0 =	simm.s32 @p1 $0x1  }
0x15: {  	[smem:$0x3FB5] =	sst s0;
	s0 =	simm.s32 @!p2 $0x0  }
0x16: {  	s3 =	sld [smem:$0x3FDB];
	s0 =	simm.s32 @p2 $0x1  }
0x17: {  	s4 =	simm.s32 $0x1BF5;
	[smem:$0x3FB7] =	sst s0  }
0x18: {  	s0 =	sld [smem:$0x3F9A];
	_ =	swait.ge [sflag:s4], $0x0  }
0x19: {  	s7 =	sld [smem:$0x3F9B]  }
0x1a: {  	s8 =	sadd.s32 $0xFFFFE003, lr  }
0x1b: {  	s9 =	sadd.s32 $0xFFFFFEF7, lr;
	s5 =	simm.s32 $0xFFFFFFFF;
	p2 =	slt.u32 s8, $0xFFFFF086  }
0x1c: {  	p1 =	slt.u32 s9, $0xF7A;
	s5 =	simm.s32 @!p2 $0x0  }
0x1d: {  	s5 =	simm.s32 @p1 $0x1;
	p0 =	seq.s32 s7, s2  }
0x1e: {  	s7 =	smul.u32 @!p0 $0xF7A, s2;
	p2 =	seq.s32 @!p0 s5, $0x0  }
0x1f: {  	s9 =	smul.u32 $0xF7A, s1;
	s8 =	simm.s32 @!p0 $0x1BF5;
	p2 =	por !p2, p0  }
0x20: {  	[sflag:s8] =	ssyncset.s32 @!p0 $0xFFFFF086;
	s6 =	sadd.s32 @!p0 s3, s7;
	s7 =	simm.s32 @!p0 $0x108  }
0x21: {  	s3 =	sadd.s32 s3, s9;
	s6 =	sadd.s32 @!p0 $0x88, s6;
	s7 =	simm.s32 @p2 $0x1082  }
0x22: {  	[simem:s7], [sflag:s8] =	dma.local @!p0 [hbm:s6], $0xF7A  }
0x23: {  	s9 =	sor.u32 $0xD0000000, s2;
	s6 =	simm.s32 $0x108;
	_ =	swait.ge @!p0 [sflag:s8], $0x0  }
0x24: {  	s3 =	sadd.s32 $0x88, s3;
	s6 =	simm.s32 @!p1 $0x1082;
	[sflag:s4] =	ssyncset.s32 $0xFFFFF086  }
0x25: {  	[simem:s6], [sflag:s4] =	dma.local [hbm:s3], $0xF7A  }
0x26: {  	[smem:$0x3F9B] =	sst s1;
	(tag) =	ssettag s2;
	_ =	strace s9  }
0x27: {  	s1 =	sld [smem:$0x3FAB]  }
0x28: {  	s2 =	sld [smem:$0x3FAC]  }
0x29: {  	s4 =	sld [smem:$0x3FAE]  }
0x2a: {  	p0 =	seq.s32 s5, $0x0;
	s5 =	sld [smem:$0x3FAF]  }
0x2b: {  	s6 =	sld [smem:$0x3FB0]  }
0x2c: {  	s7 =	sld [smem:$0x3FB1]  }
0x2d: {  	s3 =	simm.s32 $0x108;
	s8 =	sld [smem:$0x3FB2]  }
0x2e: {  	s3 =	simm.s32 @!p0 $0x1082;
	s9 =	sld [smem:$0x3FB3]  }
0x2f: {  	lr =	sadd.s32 s0, s3;
	s0 =	sld [smem:$0x3FAA]  }
0x30: {  	s3 =	sld [smem:$0x3FAD]  }
0x31: {  	[smem:$0x3FB6] =	sst s10  }
0x32: {  	s10 =	sld [smem:$0x3FB4];
	_ =	sdelay $0x3  }
0x33: {  	p0 =	seq.s32 s10, $0x1;
	s10 =	sld [smem:$0x3FB6];
	_ =	sdelay $0x3  }
0x34: {  	[smem:$0x3FB6] =	sst s10  }
0x35: {  	s10 =	sld [smem:$0x3FB5];
	_ =	sdelay $0x3  }
0x36: {  	p1 =	seq.s32 s10, $0x1;
	s10 =	sld [smem:$0x3FB6];
	_ =	sdelay $0x3  }
0x37: {  	[smem:$0x3FB6] =	sst s10  }
0x38: {  	s10 =	sld [smem:$0x3FB7]  }
0x39: {  	_ = 	snop;
	(pc) =	sbr.ind lr, $3  }
0x3a: {  	_ = 	snop  }
0x3b: {  	_ = 	snop  }
0x3c: {  	p2 =	seq.s32 s10, $0x1;
	s10 =	sld [smem:$0x3FB6]  }
0x3d: {  	_ =	shalt  }
0x3e: {  	_ =	shalt  }
0x3f: {  	_ =	shalt  }
0x40: {  	_ =	shalt  }
0x41: {  	_ =	shalt  }
0x42: {  	_ =	shalt  }
0x43: {  	_ =	shalt  }
0x44: {  	_ =	shalt  }
0x45: {  	_ =	shalt  }
0x46: {  	_ =	shalt  }
0x47: {  	_ =	shalt  }
0x48: {  	_ =	shalt  }
0x49: {  	_ =	shalt  }
0x4a: {  	_ =	shalt  }
0x4b: {  	_ =	shalt  }
0x4c: {  	_ =	shalt  }
0x4d: {  	_ =	shalt  }
0x4e: {  	_ =	shalt  }
0x4f: {  	_ =	shalt  }
0x50: {  	_ =	shalt  }
0x51: {  	_ =	shalt  }
0x52: {  	_ =	shalt  }
0x53: {  	_ =	shalt  }
0x54: {  	_ =	shalt  }
0x55: {  	_ =	shalt  }
0x56: {  	_ =	shalt  }
0x57: {  	_ =	shalt  }
0x58: {  	_ =	shalt  }
0x59: {  	_ =	shalt  }
0x5a: {  	_ =	shalt  }
0x5b: {  	_ =	shalt  }
0x5c: {  	_ =	shalt  }
0x5d: {  	_ =	shalt  }
0x5e: {  	_ =	shalt  }
0x5f: {  	_ =	shalt  }
0x60: {  	_ =	shalt  }
0x61: {  	_ =	shalt  }
0x62: {  	_ =	shalt  }
0x63: {  	_ =	shalt  }
0x64: {  	_ =	shalt  }
0x65: {  	_ =	shalt  }
0x66: {  	_ =	shalt  }
0x67: {  	_ =	shalt  }
0x68: {  	_ =	shalt  }
0x69: {  	_ =	shalt  }
0x6a: {  	_ =	shalt  }
0x6b: {  	_ =	shalt  }
0x6c: {  	_ =	shalt  }
0x6d: {  	_ =	shalt  }
0x6e: {  	_ =	shalt  }
0x6f: {  	_ =	shalt  }
0x70: {  	_ =	shalt  }
0x71: {  	_ =	shalt  }
0x72: {  	_ =	shalt  }
0x73: {  	_ =	shalt  }
0x74: {  	_ =	shalt  }
0x75: {  	_ =	shalt  }
0x76: {  	_ =	shalt  }
0x77: {  	_ =	shalt  }
0x78: {  	_ =	shalt  }
0x79: {  	_ =	shalt  }
0x7a: {  	_ =	shalt  }
0x7b: {  	_ =	shalt  }
0x7c: {  	_ =	shalt  }
0x7d: {  	_ =	shalt  }
0x7e: {  	_ =	shalt  }
0x7f: {  	_ =	shalt  }
0x80: {  	_ =	shalt  }
0x81: {  	_ =	shalt  }
0x82: {  	_ =	shalt  }
0x83: {  	_ =	shalt  }
0x84: {  	_ =	shalt  }
0x85: {  	_ =	shalt  }
0x86: {  	_ =	shalt  }
0x87: {  	_ =	shalt  }
.Lfunc_end0:
.L_simem_size_0:
called_computation_lowered:
.L_overlay_start_0:
0x88: {  	s2 =	sld [smem:$0x3FD9]  }
0x89: {  	s3 =	sld [smem:$0x3FFE];
	_ =	sdelay $0x1  }
0x8a: {  	s1 =	srdreg.scid  }
0x8b: {  	s0 =	sand.u32 $0x1, s1  }
0x8c: {  	s16 =	sshll.u32 s0, $0xA;
	s2 =	sadd.s32 s3, s2  }
0x8d: {  	s2 =	sadd.s32 s2, s16  }
0x8e: {  	[smem:$0x3FC2] =	sst s2  }
0x8f: {  	_ = 	snop  }
0x90: {  	(tm) =	ssettm $0x1  }
0x91: {  	s17 =	sld [smem:$0x3FFB];
	_ =	sdelay $0x3  }
0x92: {  	_ =	strace s17  }
0x93: {  	s2 =	sld [smem:$0x3FFC];
	_ =	sdelay $0x3  }
0x94: {  	_ =	strace s2  }
0x95: {  	s2 =	sld [smem:$0x3FFD];
	_ =	sdelay $0x3  }
0x96: {  	_ =	strace s2  }
0x97: {  	_ =	strace $0x8FFFFFFF  }
0x98: {  	s18 =	sld [smem:$0x3FDB];
	_ =	sdelay $0x1  }
0x99: {  	s19 =	simm.s32 $_scs_section_size  }
0x9a: {  	s4 =	simm.s32 $_size__tile_overlayer_lowered;
	s5 =	simm.s32 $_tile_overlayer_lowered  }
0x9b: {  	s22 =	simm.s32 $0x1BFF;
	s21 =	sshll.u32 s5, $0x1;
	s2 =	sadd.s32 s19, s18  }
0x9c: {  	s6 =	simm.s32 $0x0;
	s20 =	sshll.u32 s4, $0x1;
	s4 =	sadd.s32 s21, s2  }
0x9d: {  	[timem:s6], [sflag:s22] =	dma.local [hbm:s4], s20  }
0x9e: {  	_ =	swait.ge [sflag:s22], s20  }
0x9f: {  	s3 =	ssub.s32 $0x0, s20;
	[sflag:s22] =	ssyncset.done $0x0  }
0xa0: {  	[sflag:s22] =	ssyncadd.s32 s3;
	_ =	sdelay $0x1  }
0xa1: {  	s23 =	simm.s32 $0x1B8B  }
0xa2: {  	_ =	swait.ge [sflag:s23], $0x1  }
0xa3: {  	[sflag:s23] =	ssyncset.done $0x0  }
0xa4: {  	s25 =	simm.s32 $0x1B8E;
	s24 =	sld [smem:$0x3FFE];
	[sflag:s23] =	ssyncadd.s32 $0xFFFFFFFF  }
0xa5: {  	s26 =	simm.s32 $execute0_lowered;
	[smem:$0x3FD2] =	sst s25  }
0xa6: {  	s4 =	sshll.u32 s26, $0x1;
	_ =	strace $0x80000046;
	[dreg:$0x1] =	wrdreg $0xFFFFFFFF  }
0xa7: {  	s28 =	simm.s32 $_size_execute0_lowered;
	s2 =	sadd.s32 s2, s4;
	[dreg:$0x0] =	wrdreg $0x0  }
0xa8: {  	s4 =	sshll.u32 s28, $0x1;
	[dreg:$0x2] =	wrdreg s2  }
0xa9: {  	[dreg:$0x3] =	wrdreg s4  }
0xaa: {  	[dreg:$0x4] =	wrdreg $0xC0  }
0xab: {  	_ =	task [dreg:s6], $0x5FFFF  }
0xac: {  	[dreg:$0x1] =	wrdreg $0xFFFFFFFF  }
0xad: {  	[dreg:$0x0] =	wrdreg $0x60  }
0xae: {  	[dreg:$0x2] =	wrdreg s24  }
0xaf: {  	[dreg:$0x3] =	wrdreg $0x7A800  }
0xb0: {  	[dreg:$0x4] =	wrdreg $0x9  }
0xb1: {  	_ =	task.clear_ibuf [dreg:s6], $0x5FFFF;
	_ =	strace $0x90000046  }
0xb2: {  	s29 =	simm.s32 $0x9;
	_ =	strace $0x80000048  }
0xb3: {  	_ =	swait.ge [sflag:s29], $0x1  }
0xb4: {  	[sflag:s29] =	ssyncadd.s32 $0xFFFFFFFF  }
0xb5: {  	_ =	strace $0x90000048  }
0xb6: {  	_ =	sfence  }
0xb7: {  	s30 =	sld [smem:$0x0];
	_ =	sdelay $0x2  }
0xb8: {  	s31 =	sshll.u32 s1, $0xD;
	s1 =	sshrl.u32 s1, $0x2  }
0xb9: {  	s3 =	sand.u32 $0x4000, s31;
	s1 =	sadd.s32 s1, s30  }
0xba: {  	s0 =	sor.u32 s3, s0;
	s1 =	sshll.u32 s1, $0x11  }
0xbb: {  	s0 =	sor.u32 s1, s0  }
0xbc: {  	s0 =	sadd.s32 $0x8F2B, s0  }
0xbd: {  	[sflag:s0] =	ssyncadd.remote.s32 $0x1  }
0xbe: {  	_ =	sfence.sel $0xFFFF  }
0xbf: {  	[dreg:$0x0] =	wrdreg $0xFFFFFFFF;
	(pc) =	sbr.abs _section_cstart, $3  }
0xc0: {  	[dreg:$0x1] =	wrdreg $0xFFFFFFFF  }
0xc1: {  	_ =	task.clear_ibuf [dreg:s6], $0x2FFFF;
	_ =	strace $0x9FFFFFFF  }
0xc2: {  	(tm) =	ssettm $0x7FFFFFFF  }
0xc3: {  	_ =	shalt  }
tec
execute0_lowered:
.L_overlay_start_1:
0x0: {  	(tag) =	ssettag $0x1  }
0x1: {  	s4 =	rddreg [dreg:$0x0]  }
0x2: {  	s0 =	srdreg.scid;
	s5 =	rddreg [dreg:$0x1];
	s2 =	simm.s32 $0x0  }
0x3: {  	s12 =	simm.s32 $0x1400;
	s13 =	simm.s32 $0x14000;
	s14 =	simm.s32 $0x5000  }
0x4: {  	s15 =	simm.s32 $0x100;
	s16 =	simm.s32 $0x7800;
	s3 =	sand.u32 $0x1, s0  }
0x5: {  	s0 =	stileid.u32;
	[smem:$0x7FF] =	sst s2;
	s1 =	sshll.u32 s3, $0x4  }
0x6: {  	s7 =	sshll.u32 s0, $0x7;
	s8 =	smul.u32 $0x500, s0;
	s9 =	sshll.u32 s3, $0x7  }
0x7: {  	s10 =	sshrl.u32 s0, $0x3;
	s3 =	ssub.s32 $0x2, s3;
	s11 =	smul.u32 $0x5000, s0  }
0x8: {  	s6 =	sor.u32 s0, s1;
	s1 =	rddreg [dreg:$0x2];
	_ =	strace $0x80000047  }
0x9: {  	s7 =	sand.u32 $0x380, s7;
	s28 =	smul.u32 $0x50000, s10;
	s6 =	sshrl.u32 s6, $0x3  }
0xa: {  	s29 =	sshrl.u32 s3, $0x1;
	s8 =	sor.u32 s9, s8;
	s6 =	smul.u32 $0x14000, s6  }
0xb: {  	s10 =	ssub.s32 s3, s29;
	s31 =	sshrl.u32 s11, $0x2;
	s11 =	simm.s32 $0x2800  }
0xc: {  	s8 =	sshrl.u32 s8, $0x3;
	s9 =	sshrl.u32 s28, $0x2;
	s6 =	sor.u32 s7, s6  }
0xd: {  	s8 =	sadd.s32 s8, s4;
	s30 =	sadd.s32 s9, s5;
	s6 =	sshrl.u32 s6, $0x3  }
0xe: {  	s5 =	sadd.s32 s31, s5;
	s9 =	simm.s32 $0x400;
	s6 =	sadd.s32 s6, s4  }
0xf: {  	s4 =	sadd.s32 s7, s30;
	s7 =	smax.u32 s10, $0x1;
	s10 =	simm.s32 $0x1  }
0x10: {  	v0 =	vimm.f32 $0.0e+00;
	v1 =	vimm.f32 $1.000000000e+00;
	s3 =	sadd.s32 $0x1E00, s6;
	s6 =	sadd.s32 $0xBE00, s8;
	s8 =	simm.s32 $0x80  }
.LBB2_1:
0x11: {  	s17 =	simm.s32 $0x40;
	s18 =	simm.s32 $0x0  }
.LBB2_2:
0x12: {  	p0 =	sne.s32 s17, $0x9FC0;
	[tilespmem:s18+$0x2800] =	vst v0;
	s18 =	smov.u32 s17;
	s17 =	sadd.s32 $0x40, s17  }
.Ltmp0:
0x13: {  	(pc) =	sbr.rel @p0 .LBB2_2-.Ltmp0, $2  }
0x14: {  	_ =	sdelay $0x2  }
0x15: {  	s18 =	sshra.s32 s18, $0x2  }
0x16: {  	[tilespmem:s18+$0x2800] =	vst v0;
	s17 =	simm.s32 $0x0  }
0x17: {  	[tilespmem:s17], [sflag:$0x1] =	stream.strided.gather [hbm4b:s3+s8], $0x2800, s9, s8, $0x38;
	[tilespmem:$0xA280] =	vst v63  }
0x18: {  	_ =	swait.ge [sflag:s10], $0x2800  }
0x19: {  	[sflag:s10] =	ssyncset.done $0x0  }
0x1a: {  	s18 =	simm.s32 $0x0;
	s17 =	simm.s32 $0x40;
	[sflag:s10] =	ssyncadd.s32 $0xFFFFD800  }
.LBB2_4:
0x1b: {  	p0 =	sne.s32 s17, $0x9EC0;
	v2 =	vld [tilespmem:s18+$0x0];
	_ =	sdelay $0x3  }
.Ltmp1:
0x1c: {  	(pc) =	sbr.rel @p0 .LBB2_4-.Ltmp1, $2  }
0x1d: {  	_ =	sdelay $0x2  }
0x1e: {  	s18 =	sshra.s32 s17, $0x2;
	s17 =	sadd.s32 $0x40, s17;
	[tilespmem:v2+s11+$0x0] =	vst.idx.add.f32.msk $0xffff, v1  }
0x1f: {  	v2 =	vld [tilespmem:s18+$0x0];
	_ =	sdelay $0x7  }
0x20: {  	[tilespmem:v2+s11+$0x0] =	vst.idx.add.f32.msk $0xffff, v1  }
0x21: {  	[spmem:s4] =	stream.strided.scatter [tilespmem:s11], [sflag:$0x1], $0x2800, s9, s8, $0x38;
	[tilespmem:$0xA280] =	vst v63  }
0x22: {  	_ =	swait.ge [sflag:s10], $0x2800  }
0x23: {  	[sflag:s10] =	ssyncset.done $0x0  }
0x24: {  	[sflag:s10] =	ssyncadd.s32 $0xFFFFD800  }
0x25: {  	[bflag:$0x0] =	sbarrier.arrive $0xFFFF  }
0x26: {  	[tilespmem:s14], [sflag:$0x1] =	stream.strided.gather [spmem:s5], $0x2800, s13, s12, $0x38;
	[tilespmem:$0xA280] =	vst v63  }
0x27: {  	s17 =	simm.s32 $0x0;
	_ =	swait.ge [sflag:s10], $0x2800  }
0x28: {  	s30 =	sand.u32 $0x70, s17;
	s17 =	sand.u32 $0x1C00, s17;
	[sflag:s10] =	ssyncset.done $0x0  }
0x29: {  	s17 =	sor.u32 s30, s17;
	[sflag:s10] =	ssyncadd.s32 $0xFFFFD800  }
0x2a: {  	v2 =	vld [tilespmem:s17+$0x5080]  }
0x2b: {  	v3 =	vld [tilespmem:s17+$0x5000];
	_ =	sdelay $0x1  }
0x2c: {  	v4 =	vld [tilespmem:s17+$0x5100];
	_ =	sdelay $0x1  }
0x2d: {  	v5 =	vld [tilespmem:s17+$0x5180]  }
0x2e: {  	v2 =	vadd.f32 v2, v3  }
0x2f: {  	v3 =	vld [tilespmem:s17+$0x5200]  }
0x30: {  	v2 =	vadd.f32 v4, v2  }
0x31: {  	v56 =	vld [tilespmem:s17+$0x5280]  }
0x32: {  	v2 =	vadd.f32 v5, v2  }
0x33: {  	v57 =	vld [tilespmem:s17+$0x5300]  }
0x34: {  	v2 =	vadd.f32 v3, v2  }
0x35: {  	v3 =	vld [tilespmem:s17+$0x5380]  }
0x36: {  	v2 =	vadd.f32 v56, v2  }
0x37: {  	v58 =	vld [tilespmem:s17+$0x6400]  }
0x38: {  	v2 =	vadd.f32 v57, v2  }
0x39: {  	v59 =	vld [tilespmem:s17+$0x6480]  }
0x3a: {  	v2 =	vadd.f32 v3, v2  }
0x3b: {  	v3 =	vld [tilespmem:s17+$0x6500]  }
0x3c: {  	v2 =	vadd.f32 v58, v2  }
0x3d: {  	v60 =	vld [tilespmem:s17+$0x6580]  }
0x3e: {  	v2 =	vadd.f32 v59, v2  }
0x3f: {  	v61 =	vld [tilespmem:s17+$0x6600]  }
0x40: {  	v2 =	vadd.f32 v3, v2  }
0x41: {  	v3 =	vld [tilespmem:s17+$0x6680]  }
0x42: {  	v2 =	vadd.f32 v60, v2  }
0x43: {  	v62 =	vld [tilespmem:s17+$0x6700]  }
0x44: {  	v2 =	vadd.f32 v61, v2  }
0x45: {  	v63 =	vld [tilespmem:s17+$0x6780]  }
0x46: {  	v2 =	vadd.f32 v3, v2;
	_ =	sdelay $0x1  }
0x47: {  	v2 =	vadd.f32 v62, v2;
	_ =	sdelay $0x1  }
0x48: {  	s31 =	simm.s32 $0x10;
	s19 =	simm.s32 $0x80;
	v2 =	vadd.f32 v63, v2  }
0x49: {  	s18 =	sand.u32 $0x70, s31;
	s20 =	sand.u32 $0x1C00, s19;
	s17 =	simm.s32 $0x7800  }
0x4a: {  	s18 =	sor.u32 s18, s20;
	s20 =	simm.s32 $0x20;
	[tilespmem:s17+$0x0] =	vst v2  }
.LBB2_6:
0x4b: {  	p0 =	sne.s32 s20, $0x270;
	v2 =	vld [tilespmem:s18+$0x5080]  }
0x4c: {  	v3 =	vld [tilespmem:s18+$0x5000];
	_ =	sdelay $0x1  }
0x4d: {  	v4 =	vld [tilespmem:s18+$0x5100];
	_ =	sdelay $0x1  }
0x4e: {  	v5 =	vld [tilespmem:s18+$0x5180]  }
0x4f: {  	v2 =	vadd.f32 v2, v3  }
0x50: {  	v3 =	vld [tilespmem:s18+$0x5200]  }
0x51: {  	v2 =	vadd.f32 v4, v2  }
0x52: {  	v4 =	vld [tilespmem:s18+$0x5280]  }
0x53: {  	v2 =	vadd.f32 v5, v2  }
0x54: {  	v5 =	vld [tilespmem:s18+$0x5300]  }
0x55: {  	v2 =	vadd.f32 v3, v2  }
0x56: {  	v3 =	vld [tilespmem:s18+$0x5380]  }
0x57: {  	v2 =	vadd.f32 v4, v2  }
0x58: {  	v4 =	vld [tilespmem:s18+$0x6400]  }
0x59: {  	v2 =	vadd.f32 v5, v2  }
0x5a: {  	v5 =	vld [tilespmem:s18+$0x6480]  }
0x5b: {  	v2 =	vadd.f32 v3, v2  }
0x5c: {  	v3 =	vld [tilespmem:s18+$0x6500]  }
0x5d: {  	v2 =	vadd.f32 v4, v2  }
0x5e: {  	v4 =	vld [tilespmem:s18+$0x6580]  }
0x5f: {  	v2 =	vadd.f32 v5, v2  }
0x60: {  	v5 =	vld [tilespmem:s18+$0x6600]  }
0x61: {  	v2 =	vadd.f32 v3, v2  }
0x62: {  	v3 =	vld [tilespmem:s18+$0x6680]  }
0x63: {  	v2 =	vadd.f32 v4, v2  }
0x64: {  	v4 =	vld [tilespmem:s18+$0x6700]  }
0x65: {  	v2 =	vadd.f32 v5, v2  }
0x66: {  	v5 =	vld [tilespmem:s18+$0x6780]  }
0x67: {  	v2 =	vadd.f32 v3, v2;
	_ =	sdelay $0x1  }
.Ltmp2:
0x68: {  	v2 =	vadd.f32 v4, v2;
	(pc) =	sbr.rel @p0 .LBB2_6-.Ltmp2, $4  }
0x69: {  	_ = 	snop  }
0x6a: {  	s19 =	sadd.s32 $0x80, s19;
	v2 =	vadd.f32 v5, v2  }
0x6b: {  	s17 =	sadd.s32 $0x10, s17;
	s21 =	sand.u32 $0x1C00, s19;
	s18 =	sand.u32 $0x70, s20  }
0x6c: {  	s20 =	sadd.s32 $0x10, s20;
	s18 =	sor.u32 s18, s21;
	[tilespmem:s17+$0x0] =	vst v2  }
0x6d: {  	v2 =	vld [tilespmem:s18+$0x5080]  }
0x6e: {  	v3 =	vld [tilespmem:s18+$0x5000];
	_ =	sdelay $0x1  }
0x6f: {  	v4 =	vld [tilespmem:s18+$0x5100];
	_ =	sdelay $0x1  }
0x70: {  	v5 =	vld [tilespmem:s18+$0x5180]  }
0x71: {  	v2 =	vadd.f32 v2, v3  }
0x72: {  	v3 =	vld [tilespmem:s18+$0x5200]  }
0x73: {  	v2 =	vadd.f32 v4, v2  }
0x74: {  	v56 =	vld [tilespmem:s18+$0x5280]  }
0x75: {  	v2 =	vadd.f32 v5, v2  }
0x76: {  	v57 =	vld [tilespmem:s18+$0x5300]  }
0x77: {  	v2 =	vadd.f32 v3, v2  }
0x78: {  	v3 =	vld [tilespmem:s18+$0x5380]  }
0x79: {  	v2 =	vadd.f32 v56, v2  }
0x7a: {  	v58 =	vld [tilespmem:s18+$0x6400]  }
0x7b: {  	v2 =	vadd.f32 v57, v2  }
0x7c: {  	v59 =	vld [tilespmem:s18+$0x6480]  }
0x7d: {  	v2 =	vadd.f32 v3, v2  }
0x7e: {  	v3 =	vld [tilespmem:s18+$0x6500]  }
0x7f: {  	v2 =	vadd.f32 v58, v2  }
0x80: {  	v60 =	vld [tilespmem:s18+$0x6580]  }
0x81: {  	v2 =	vadd.f32 v59, v2  }
0x82: {  	v61 =	vld [tilespmem:s18+$0x6600]  }
0x83: {  	v2 =	vadd.f32 v3, v2  }
0x84: {  	v3 =	vld [tilespmem:s18+$0x6680]  }
0x85: {  	v2 =	vadd.f32 v60, v2  }
0x86: {  	v62 =	vld [tilespmem:s18+$0x6700]  }
0x87: {  	v2 =	vadd.f32 v61, v2  }
0x88: {  	v63 =	vld [tilespmem:s18+$0x6780]  }
0x89: {  	v2 =	vadd.f32 v3, v2;
	_ =	sdelay $0x1  }
0x8a: {  	v2 =	vadd.f32 v62, v2;
	_ =	sdelay $0x1  }
0x8b: {  	s2 =	sadd.s32 $0x1, s2;
	v2 =	vadd.f32 v63, v2  }
0x8c: {  	s17 =	sadd.s32 $0x10, s17;
	p0 =	sne.s32 s2, s7  }
.Ltmp3:
0x8d: {  	[tilespmem:s17+$0x0] =	vst v2;
	(pc) =	sbr.rel @p0 .LBB2_1-.Ltmp3, $4  }
0x8e: {  	[hbm4b:s6+s8] =	stream.strided.scatter [tilespmem:s16], [sflag:$0x1], $0x280, s15, s8, $0x38;
	[tilespmem:$0xA280] =	vst v63  }
0x8f: {  	_ =	swait.ge [sflag:s10], $0x280  }
0x90: {  	[sflag:s10] =	ssyncset.done $0x0  }
0x91: {  	[sflag:s10] =	ssyncadd.s32 $0xFFFFFD80  }
0x92: {  	_ =	sfence.sel $0x180000  }
0x93: {  	[bflag:$0x0] =	sbarrier.arrive $0xFFFF  }
0x94: {  	p0 =	sne.s32 s0, $0x0;
	_ =	strace $0x90000047  }
0x95: {  	s0 =	sadd.s32 @!p0 $0x100000, s1;
	[bflag:$0x2] =	sbarrier.arrive $0xFFFF  }
0x96: {  	[sflag:s0] =	ssyncadd.tile.s32 @!p0 $0x1;
	_ =	shalt  }
.Lfunc_end2:
_tile_overlayer_lowered:
.L_overlay_start_2:
0x97: {  	(tag) =	ssettag $0x2  }
0x98: {  	s0 =	rddreg [dreg:$0x0];
	s2 =	stileid.u32  }
0x99: {  	s1 =	rddreg [dreg:$0x1];
	p0 =	sne.s32 s2, $0x0  }
0x9a: {  	s3 =	rddreg [dreg:$0x2];
	[bflag:$0x3] =	sbarrier.arrive $0xFFFF;
	s2 =	simm.s32 @!p0 $0x1C01  }
0x9b: {  	[timem:s3], [sflag:s2] =	dma.local @!p0 [hbm:s0], s1  }
0x9c: {  	s0 =	simm.s32 @!p0 $0x1  }
0x9d: {  	_ =	swait.ge @!p0 [sflag:s0], s1  }
0x9e: {  	s1 =	ssub.s32 @!p0 $0x0, s1;
	[sflag:s0] =	ssyncset.done @!p0 $0x0  }
0x9f: {  	[sflag:s0] =	ssyncadd.s32 @!p0 s1  }
0xa0: {  	[bflag:$0x3] =	sbarrier.arrive $0xFFFF  }
0xa1: {  	_ =	shalt  }

</sc_bundles>
